<compile_context>
chip_gen: v7x
topology: tpu7x:2x2x1
jax: 0.10.2.dev20260603
libtpu: 0.0.44.dev20260713+nightly
codegen_flags: <defaults>
</compile_context>

<pallas_src>
import functools

import jax
import jax.numpy as jnp
from jax import lax
from jax.experimental import pallas as pl
from jax.experimental.pallas import tpu as pltpu
from jax.experimental.pallas import tpu_sc as plsc

N = 10000
C = 128
E = 320000

NC = 2
NS = 16
NW = NC * NS

PAD_N = 10112
E_PAD = 327680
CHUNK = 128
EPT = E_PAD // NW
NCHUNK = EPT // CHUNK
ACHUNK = 64
AROWS = EPT // (2 * ACHUNK)
E_AGG = E_PAD
RPT = PAD_N // NS
DEG_PAD = 10240
DPT = DEG_PAD // NS
NBUF = 2
DEG_Q = 8

_MESH = plsc.VectorSubcoreMesh(core_axis_name="c", subcore_axis_name="s")


@functools.partial(
    pl.kernel,
    mesh=_MESH,
    out_type=jax.ShapeDtypeStruct((NC, DEG_PAD), jnp.float32),
    scratch_types=[
        pltpu.VMEM((NCHUNK, CHUNK), jnp.int32),
        pltpu.VMEM((CHUNK,), jnp.float32),
        pltpu.VMEM((DPT,), jnp.float32),
        pltpu.VMEM_SHARED((DEG_PAD,), jnp.float32),
        pltpu.SemaphoreType.DMA,
    ],
)
def _deg_kernel(dst_hbm, out_hbm, dst_v, ones_v, zer_v, deg_sh, sem):
    cid = lax.axis_index("c")
    sid = lax.axis_index("s")
    wid = cid * NS + sid
    for j in range(DPT // 16):
        zer_v[pl.ds(j * 16, 16)] = jnp.zeros((16,), jnp.float32)
    for j in range(CHUNK // 16):
        ones_v[pl.ds(j * 16, 16)] = jnp.ones((16,), jnp.float32)
    pltpu.sync_copy(zer_v, deg_sh.at[pl.ds(sid * DPT, DPT)])
    pltpu.sync_copy(dst_hbm.at[wid], dst_v)
    plsc.subcore_barrier()

    def step(j, carry):
        for b in range(DEG_Q):
            pltpu.async_copy(ones_v, deg_sh.at[dst_v.at[j * DEG_Q + b]], sem,
                             add=True)
        for b in range(DEG_Q):
            pltpu.make_async_copy(ones_v, deg_sh.at[dst_v.at[j * DEG_Q + b]],
                                  sem).wait()
        return carry

    lax.fori_loop(0, NCHUNK // DEG_Q, step, 0)
    plsc.subcore_barrier()
    pltpu.sync_copy(deg_sh.at[pl.ds(sid * DPT, DPT)],
                    out_hbm.at[cid, pl.ds(sid * DPT, DPT)])


def _transform_body(x_ref, w_ref, dp_ref, g_ref, gb_ref):
    h = jnp.dot(x_ref[...], w_ref[...], preferred_element_type=jnp.float32)
    deg = dp_ref[0, :N] + dp_ref[1, :N] + 1.0
    disq = lax.rsqrt(deg)
    g = h * disq[:, None]
    g_ref[...] = g
    gb_ref[:N, :] = g
    gb_ref[N:, :] = jnp.zeros((PAD_N - N, C), jnp.float32)


_transform = pl.pallas_call(
    _transform_body,
    out_shape=(
        jax.ShapeDtypeStruct((N, C), jnp.float32),
        jax.ShapeDtypeStruct((PAD_N, C), jnp.float32),
    ),
)


@functools.partial(
    pl.kernel,
    mesh=_MESH,
    out_type=jax.ShapeDtypeStruct((NC, PAD_N, C), jnp.float32),
    scratch_types=[
        pltpu.VMEM((AROWS, 2 * ACHUNK), jnp.int32),
        pltpu.VMEM((AROWS, 2 * ACHUNK), jnp.int32),
        pltpu.VMEM((NBUF, ACHUNK, C), jnp.float32),
        pltpu.VMEM_SHARED((PAD_N, C), jnp.float32),
    ] + [pltpu.SemaphoreType.DMA] * (2 * NBUF),
)
def _agg_kernel(src_hbm, dst_hbm, g_hbm, z_hbm, out_hbm,
                src_v, dst_v, rows_v, acc_sh, *sems):
    sem_g = sems[:NBUF]
    sem_s = sems[NBUF:]
    cid = lax.axis_index("c")
    sid = lax.axis_index("s")
    wid = cid * NS + sid
    pltpu.sync_copy(z_hbm.at[pl.ds(sid * RPT, RPT)],
                    acc_sh.at[pl.ds(sid * RPT, RPT)])
    pltpu.sync_copy(src_hbm.at[wid], src_v)
    pltpu.sync_copy(dst_hbm.at[wid], dst_v)
    plsc.subcore_barrier()

    def s_idx(j, h):
        return src_v.at[j, pl.ds(h * ACHUNK, ACHUNK)]

    def d_idx(j, h):
        return dst_v.at[j, pl.ds(h * ACHUNK, ACHUNK)]

    def gather(j, h):
        pltpu.async_copy(g_hbm.at[s_idx(j, h)], rows_v.at[h], sem_g[h])

    def gather_wait(j, h):
        pltpu.make_async_copy(g_hbm.at[s_idx(j, h)], rows_v.at[h],
                              sem_g[h]).wait()

    def scat(j, h):
        pltpu.async_copy(rows_v.at[h], acc_sh.at[d_idx(j, h)], sem_s[h],
                         add=True)

    def scat_wait(j, h):
        pltpu.make_async_copy(rows_v.at[h], acc_sh.at[d_idx(j, h)],
                              sem_s[h]).wait()

    gather(0, 0)

    def step(j, carry):
        gather_wait(j, 0)
        scat(j, 0)

        @pl.when(j >= 1)
        def _():
            scat_wait(j - 1, 1)

        gather(j, 1)
        gather_wait(j, 1)
        scat(j, 1)
        scat_wait(j, 0)

        @pl.when(j + 1 < AROWS)
        def _():
            gather(j + 1, 0)

        return carry

    lax.fori_loop(0, AROWS, step, 0)
    scat_wait(AROWS - 1, 1)
    plsc.subcore_barrier()
    pltpu.sync_copy(acc_sh.at[pl.ds(sid * RPT, RPT)],
                    out_hbm.at[cid, pl.ds(sid * RPT, RPT)])


def _finalize_body(s_ref, g_ref, dp_ref, b_ref, o_ref):
    deg = dp_ref[0, :N] + dp_ref[1, :N] + 1.0
    disq = lax.rsqrt(deg)
    tot = (s_ref[0, :N, :].astype(jnp.float32)
           + s_ref[1, :N, :].astype(jnp.float32) + g_ref[...])
    o_ref[...] = tot * disq[:, None] + b_ref[...][None, :]


_finalize = pl.pallas_call(
    _finalize_body,
    out_shape=jax.ShapeDtypeStruct((N, C), jnp.float32),
)


def kernel(x, edge_index, W, b):
    src = edge_index[0].astype(jnp.int32)
    dst = edge_index[1].astype(jnp.int32)
    pad = jnp.full((E_PAD - E,), N, jnp.int32)
    src_p = jnp.concatenate([src, pad])
    dst_p = jnp.concatenate([dst, pad])
    dst_deg = dst_p.reshape(NW, NCHUNK, CHUNK)
    src_agg = src_p.reshape(NW, AROWS, 2 * ACHUNK)
    dst_agg = dst_p.reshape(NW, AROWS, 2 * ACHUNK)

    deg_parts = _deg_kernel(dst_deg)
    g_f32, g_pad = _transform(x, W, deg_parts)
    zeros_f32 = jnp.zeros((PAD_N, C), jnp.float32)
    s_parts = _agg_kernel(src_agg, dst_agg, g_pad, zeros_f32)
    return _finalize(s_parts, g_f32, deg_parts, b)

# --- scband reference (transcript-rebuilt; emitter-appended) ---
"""Pipeline reference for scband-linear-encoder-89335319757132 (READ-ONLY COPY).

The authoritative reference and input builder live on the scoring server;
editing this copy changes nothing except your own understanding.
"""

import jax, jax.numpy as jnp
import numpy as np

N_NODES = 10000
N_EDGES = 320000
IN_CH = 128
OUT_CH = 128


def setup_inputs(seed: int = 0) -> dict:
    key = jax.random.key(seed)
    k1, k2, k3, k4 = jax.random.split(key, 4)
    x = jax.random.normal(k1, (N_NODES, IN_CH), dtype=jnp.float32)
    edge_index = jax.random.randint(k2, (2, N_EDGES), 0, N_NODES, dtype=jnp.int64)
    # GCNConv learned params: linear weight [in, out] and bias [out]
    W = jax.random.normal(k3, (IN_CH, OUT_CH), dtype=jnp.float32) * (1.0 / np.sqrt(IN_CH))
    b = jnp.zeros((OUT_CH,), dtype=jnp.float32)
    return {"x": x, "edge_index": edge_index, "W": W, "b": b}


def reference(x, edge_index, W, b):
    # Faithful GCNConv (PyG defaults): add self-loops, symmetric normalization,
    # linear transform, sum aggregation by destination node, then bias.
    N = x.shape[0]
    src = edge_index[0]
    dst = edge_index[1]
    loop = jnp.arange(N, dtype=edge_index.dtype)
    src = jnp.concatenate([src, loop])
    dst = jnp.concatenate([dst, loop])
    # degree (with self-loops, unit edge weights), computed on destination
    deg = jnp.zeros((N,), dtype=x.dtype).at[dst].add(1.0)
    deg_inv_sqrt = jnp.where(deg > 0, deg ** -0.5, 0.0)
    norm = deg_inv_sqrt[src] * deg_inv_sqrt[dst]
    # linear transform then propagate
    h = x @ W
    msgs = jnp.take(h, src, axis=0) * norm[:, None]
    out = jnp.zeros((N, h.shape[1]), dtype=x.dtype).at[dst].add(msgs)
    return out + b

if __name__ == "__main__":
    import jax
    _d = setup_inputs()
    print(jax.jit(kernel)(*tuple(_d.values())))

</pallas_src>

<mosaic_0001>
#map = affine_map<(d0, d1) -> (0, 0, 0)>
#map1 = affine_map<(d0, d1) -> (0, 0)>
module attributes {stable_mosaic.version = 14 : i64} {
  func.func @_deg_kernel(%arg0: i32, %arg1: i32, %arg2: memref<32x80x128xi32, #tpu.memory_space<hbm>>, %arg3: memref<2x10240xf32, #tpu.memory_space<hbm>>, %arg4: memref<80x128xi32, #tpu.memory_space<vmem>>, %arg5: memref<128xf32, #tpu.memory_space<vmem>>, %arg6: memref<640xf32, #tpu.memory_space<vmem>>, %arg7: memref<10240xf32, #tpu.memory_space<vmem_shared>>, %arg8: memref<!tpu.dma_semaphore, #tpu.memory_space<semaphore_mem>>) attributes {dimension_semantics = [#tpu.dimension_semantics<core_parallel>, #tpu.dimension_semantics<subcore_parallel>], iteration_bounds = array<i64: 2, 16>, scalar_prefetch = 0 : i64, scratch_operands = 5 : i64, tpu.core_type = #tpu.core_type<sc_vector_subcore>, window_params = [{transform_indices = #map}, {transform_indices = #map1}]} {
    %mul3A = arith.constant 16 : i32
    %mul3A_0 = arith.muli %arg0, %mul3A : i32
    %add3A = arith.addi %mul3A_0, %arg1 : i32
    %broadcast_in_dim3A = arith.constant 0.000000e+00 : f32
    %broadcast_in_dim3A_1 = vector.broadcast %broadcast_in_dim3A : f32 to vector<16xf32>
    %swap3A = arith.constant 0 : index
    %swap3A_2 = tpu.vector_load %arg6[%swap3A] {strides = array<i32>} : memref<640xf32, #tpu.memory_space<vmem>>, vector<16xf32>,
    %swap3A_3 = vector.shape_cast %swap3A_2 : vector<16xf32> to vector<16xf32>
    %swap3A_4 = vector.shape_cast %broadcast_in_dim3A_1 : vector<16xf32> to vector<16xf32>
    tpu.vector_store %arg6[%swap3A], %swap3A_4 {strides = array<i32>} : memref<640xf32, #tpu.memory_space<vmem>>, vector<16xf32>,
    %broadcast_in_dim3A_5 = arith.constant 0.000000e+00 : f32
    %broadcast_in_dim3A_6 = vector.broadcast %broadcast_in_dim3A_5 : f32 to vector<16xf32>
    %swap3A_7 = arith.constant 16 : index
    %swap3A_8 = tpu.vector_load %arg6[%swap3A_7] {strides = array<i32>} : memref<640xf32, #tpu.memory_space<vmem>>, vector<16xf32>,
    %swap3A_9 = vector.shape_cast %swap3A_8 : vector<16xf32> to vector<16xf32>
    %swap3A_10 = vector.shape_cast %broadcast_in_dim3A_6 : vector<16xf32> to vector<16xf32>
    tpu.vector_store %arg6[%swap3A_7], %swap3A_10 {strides = array<i32>} : memref<640xf32, #tpu.memory_space<vmem>>, vector<16xf32>,
    %broadcast_in_dim3A_11 = arith.constant 0.000000e+00 : f32
    %broadcast_in_dim3A_12 = vector.broadcast %broadcast_in_dim3A_11 : f32 to vector<16xf32>
    %swap3A_13 = arith.constant 32 : index
    %swap3A_14 = tpu.vector_load %arg6[%swap3A_13] {strides = array<i32>} : memref<640xf32, #tpu.memory_space<vmem>>, vector<16xf32>,
    %swap3A_15 = vector.shape_cast %swap3A_14 : vector<16xf32> to vector<16xf32>
    %swap3A_16 = vector.shape_cast %broadcast_in_dim3A_12 : vector<16xf32> to vector<16xf32>
    tpu.vector_store %arg6[%swap3A_13], %swap3A_16 {strides = array<i32>} : memref<640xf32, #tpu.memory_space<vmem>>, vector<16xf32>,
    %broadcast_in_dim3A_17 = arith.constant 0.000000e+00 : f32
    %broadcast_in_dim3A_18 = vector.broadcast %broadcast_in_dim3A_17 : f32 to vector<16xf32>
    %swap3A_19 = arith.constant 48 : index
    %swap3A_20 = tpu.vector_load %arg6[%swap3A_19] {strides = array<i32>} : memref<640xf32, #tpu.memory_space<vmem>>, vector<16xf32>,
    %swap3A_21 = vector.shape_cast %swap3A_20 : vector<16xf32> to vector<16xf32>
    %swap3A_22 = vector.shape_cast %broadcast_in_dim3A_18 : vector<16xf32> to vector<16xf32>
    tpu.vector_store %arg6[%swap3A_19], %swap3A_22 {strides = array<i32>} : memref<640xf32, #tpu.memory_space<vmem>>, vector<16xf32>,
    %broadcast_in_dim3A_23 = arith.constant 0.000000e+00 : f32
    %broadcast_in_dim3A_24 = vector.broadcast %broadcast_in_dim3A_23 : f32 to vector<16xf32>
    %swap3A_25 = arith.constant 64 : index
    %swap3A_26 = tpu.vector_load %arg6[%swap3A_25] {strides = array<i32>} : memref<640xf32, #tpu.memory_space<vmem>>, vector<16xf32>,
    %swap3A_27 = vector.shape_cast %swap3A_26 : vector<16xf32> to vector<16xf32>
    %swap3A_28 = vector.shape_cast %broadcast_in_dim3A_24 : vector<16xf32> to vector<16xf32>
    tpu.vector_store %arg6[%swap3A_25], %swap3A_28 {strides = array<i32>} : memref<640xf32, #tpu.memory_space<vmem>>, vector<16xf32>,
    %broadcast_in_dim3A_29 = arith.constant 0.000000e+00 : f32
    %broadcast_in_dim3A_30 = vector.broadcast %broadcast_in_dim3A_29 : f32 to vector<16xf32>
    %swap3A_31 = arith.constant 80 : index
    %swap3A_32 = tpu.vector_load %arg6[%swap3A_31] {strides = array<i32>} : memref<640xf32, #tpu.memory_space<vmem>>, vector<16xf32>,
    %swap3A_33 = vector.shape_cast %swap3A_32 : vector<16xf32> to vector<16xf32>
    %swap3A_34 = vector.shape_cast %broadcast_in_dim3A_30 : vector<16xf32> to vector<16xf32>
    tpu.vector_store %arg6[%swap3A_31], %swap3A_34 {strides = array<i32>} : memref<640xf32, #tpu.memory_space<vmem>>, vector<16xf32>,
    %broadcast_in_dim3A_35 = arith.constant 0.000000e+00 : f32
    %broadcast_in_dim3A_36 = vector.broadcast %broadcast_in_dim3A_35 : f32 to vector<16xf32>
    %swap3A_37 = arith.constant 96 : index
    %swap3A_38 = tpu.vector_load %arg6[%swap3A_37] {strides = array<i32>} : memref<640xf32, #tpu.memory_space<vmem>>, vector<16xf32>,
    %swap3A_39 = vector.shape_cast %swap3A_38 : vector<16xf32> to vector<16xf32>
    %swap3A_40 = vector.shape_cast %broadcast_in_dim3A_36 : vector<16xf32> to vector<16xf32>
    tpu.vector_store %arg6[%swap3A_37], %swap3A_40 {strides = array<i32>} : memref<640xf32, #tpu.memory_space<vmem>>, vector<16xf32>,
    %broadcast_in_dim3A_41 = arith.constant 0.000000e+00 : f32
    %broadcast_in_dim3A_42 = vector.broadcast %broadcast_in_dim3A_41 : f32 to vector<16xf32>
    %swap3A_43 = arith.constant 112 : index
    %swap3A_44 = tpu.vector_load %arg6[%swap3A_43] {strides = array<i32>} : memref<640xf32, #tpu.memory_space<vmem>>, vector<16xf32>,
    %swap3A_45 = vector.shape_cast %swap3A_44 : vector<16xf32> to vector<16xf32>
    %swap3A_46 = vector.shape_cast %broadcast_in_dim3A_42 : vector<16xf32> to vector<16xf32>
    tpu.vector_store %arg6[%swap3A_43], %swap3A_46 {strides = array<i32>} : memref<640xf32, #tpu.memory_space<vmem>>, vector<16xf32>,
    %broadcast_in_dim3A_47 = arith.constant 0.000000e+00 : f32
    %broadcast_in_dim3A_48 = vector.broadcast %broadcast_in_dim3A_47 : f32 to vector<16xf32>
    %swap3A_49 = arith.constant 128 : index
    %swap3A_50 = tpu.vector_load %arg6[%swap3A_49] {strides = array<i32>} : memref<640xf32, #tpu.memory_space<vmem>>, vector<16xf32>,
    %swap3A_51 = vector.shape_cast %swap3A_50 : vector<16xf32> to vector<16xf32>
    %swap3A_52 = vector.shape_cast %broadcast_in_dim3A_48 : vector<16xf32> to vector<16xf32>
    tpu.vector_store %arg6[%swap3A_49], %swap3A_52 {strides = array<i32>} : memref<640xf32, #tpu.memory_space<vmem>>, vector<16xf32>,
    %broadcast_in_dim3A_53 = arith.constant 0.000000e+00 : f32
    %broadcast_in_dim3A_54 = vector.broadcast %broadcast_in_dim3A_53 : f32 to vector<16xf32>
    %swap3A_55 = arith.constant 144 : index
    %swap3A_56 = tpu.vector_load %arg6[%swap3A_55] {strides = array<i32>} : memref<640xf32, #tpu.memory_space<vmem>>, vector<16xf32>,
    %swap3A_57 = vector.shape_cast %swap3A_56 : vector<16xf32> to vector<16xf32>
    %swap3A_58 = vector.shape_cast %broadcast_in_dim3A_54 : vector<16xf32> to vector<16xf32>
    tpu.vector_store %arg6[%swap3A_55], %swap3A_58 {strides = array<i32>} : memref<640xf32, #tpu.memory_space<vmem>>, vector<16xf32>,
    %broadcast_in_dim3A_59 = arith.constant 0.000000e+00 : f32
    %broadcast_in_dim3A_60 = vector.broadcast %broadcast_in_dim3A_59 : f32 to vector<16xf32>
    %swap3A_61 = arith.constant 160 : index
    %swap3A_62 = tpu.vector_load %arg6[%swap3A_61] {strides = array<i32>} : memref<640xf32, #tpu.memory_space<vmem>>, vector<16xf32>,
    %swap3A_63 = vector.shape_cast %swap3A_62 : vector<16xf32> to vector<16xf32>
    %swap3A_64 = vector.shape_cast %broadcast_in_dim3A_60 : vector<16xf32> to vector<16xf32>
    tpu.vector_store %arg6[%swap3A_61], %swap3A_64 {strides = array<i32>} : memref<640xf32, #tpu.memory_space<vmem>>, vector<16xf32>,
    %broadcast_in_dim3A_65 = arith.constant 0.000000e+00 : f32
    %broadcast_in_dim3A_66 = vector.broadcast %broadcast_in_dim3A_65 : f32 to vector<16xf32>
    %swap3A_67 = arith.constant 176 : index
    %swap3A_68 = tpu.vector_load %arg6[%swap3A_67] {strides = array<i32>} : memref<640xf32, #tpu.memory_space<vmem>>, vector<16xf32>,
    %swap3A_69 = vector.shape_cast %swap3A_68 : vector<16xf32> to vector<16xf32>
    %swap3A_70 = vector.shape_cast %broadcast_in_dim3A_66 : vector<16xf32> to vector<16xf32>
    tpu.vector_store %arg6[%swap3A_67], %swap3A_70 {strides = array<i32>} : memref<640xf32, #tpu.memory_space<vmem>>, vector<16xf32>,
    %broadcast_in_dim3A_71 = arith.constant 0.000000e+00 : f32
    %broadcast_in_dim3A_72 = vector.broadcast %broadcast_in_dim3A_71 : f32 to vector<16xf32>
    %swap3A_73 = arith.constant 192 : index
    %swap3A_74 = tpu.vector_load %arg6[%swap3A_73] {strides = array<i32>} : memref<640xf32, #tpu.memory_space<vmem>>, vector<16xf32>,
    %swap3A_75 = vector.shape_cast %swap3A_74 : vector<16xf32> to vector<16xf32>
    %swap3A_76 = vector.shape_cast %broadcast_in_dim3A_72 : vector<16xf32> to vector<16xf32>
    tpu.vector_store %arg6[%swap3A_73], %swap3A_76 {strides = array<i32>} : memref<640xf32, #tpu.memory_space<vmem>>, vector<16xf32>,
    %broadcast_in_dim3A_77 = arith.constant 0.000000e+00 : f32
    %broadcast_in_dim3A_78 = vector.broadcast %broadcast_in_dim3A_77 : f32 to vector<16xf32>
    %swap3A_79 = arith.constant 208 : index
    %swap3A_80 = tpu.vector_load %arg6[%swap3A_79] {strides = array<i32>} : memref<640xf32, #tpu.memory_space<vmem>>, vector<16xf32>,
    %swap3A_81 = vector.shape_cast %swap3A_80 : vector<16xf32> to vector<16xf32>
    %swap3A_82 = vector.shape_cast %broadcast_in_dim3A_78 : vector<16xf32> to vector<16xf32>
    tpu.vector_store %arg6[%swap3A_79], %swap3A_82 {strides = array<i32>} : memref<640xf32, #tpu.memory_space<vmem>>, vector<16xf32>,
    %broadcast_in_dim3A_83 = arith.constant 0.000000e+00 : f32
    %broadcast_in_dim3A_84 = vector.broadcast %broadcast_in_dim3A_83 : f32 to vector<16xf32>
    %swap3A_85 = arith.constant 224 : index
    %swap3A_86 = tpu.vector_load %arg6[%swap3A_85] {strides = array<i32>} : memref<640xf32, #tpu.memory_space<vmem>>, vector<16xf32>,
    %swap3A_87 = vector.shape_cast %swap3A_86 : vector<16xf32> to vector<16xf32>
    %swap3A_88 = vector.shape_cast %broadcast_in_dim3A_84 : vector<16xf32> to vector<16xf32>
    tpu.vector_store %arg6[%swap3A_85], %swap3A_88 {strides = array<i32>} : memref<640xf32, #tpu.memory_space<vmem>>, vector<16xf32>,
    %broadcast_in_dim3A_89 = arith.constant 0.000000e+00 : f32
    %broadcast_in_dim3A_90 = vector.broadcast %broadcast_in_dim3A_89 : f32 to vector<16xf32>
    %swap3A_91 = arith.constant 240 : index
    %swap3A_92 = tpu.vector_load %arg6[%swap3A_91] {strides = array<i32>} : memref<640xf32, #tpu.memory_space<vmem>>, vector<16xf32>,
    %swap3A_93 = vector.shape_cast %swap3A_92 : vector<16xf32> to vector<16xf32>
    %swap3A_94 = vector.shape_cast %broadcast_in_dim3A_90 : vector<16xf32> to vector<16xf32>
    tpu.vector_store %arg6[%swap3A_91], %swap3A_94 {strides = array<i32>} : memref<640xf32, #tpu.memory_space<vmem>>, vector<16xf32>,
    %broadcast_in_dim3A_95 = arith.constant 0.000000e+00 : f32
    %broadcast_in_dim3A_96 = vector.broadcast %broadcast_in_dim3A_95 : f32 to vector<16xf32>
    %swap3A_97 = arith.constant 256 : index
    %swap3A_98 = tpu.vector_load %arg6[%swap3A_97] {strides = array<i32>} : memref<640xf32, #tpu.memory_space<vmem>>, vector<16xf32>,
    %swap3A_99 = vector.shape_cast %swap3A_98 : vector<16xf32> to vector<16xf32>
    %swap3A_100 = vector.shape_cast %broadcast_in_dim3A_96 : vector<16xf32> to vector<16xf32>
    tpu.vector_store %arg6[%swap3A_97], %swap3A_100 {strides = array<i32>} : memref<640xf32, #tpu.memory_space<vmem>>, vector<16xf32>,
    %broadcast_in_dim3A_101 = arith.constant 0.000000e+00 : f32
    %broadcast_in_dim3A_102 = vector.broadcast %broadcast_in_dim3A_101 : f32 to vector<16xf32>
    %swap3A_103 = arith.constant 272 : index
    %swap3A_104 = tpu.vector_load %arg6[%swap3A_103] {strides = array<i32>} : memref<640xf32, #tpu.memory_space<vmem>>, vector<16xf32>,
    %swap3A_105 = vector.shape_cast %swap3A_104 : vector<16xf32> to vector<16xf32>
    %swap3A_106 = vector.shape_cast %broadcast_in_dim3A_102 : vector<16xf32> to vector<16xf32>
    tpu.vector_store %arg6[%swap3A_103], %swap3A_106 {strides = array<i32>} : memref<640xf32, #tpu.memory_space<vmem>>, vector<16xf32>,
    %broadcast_in_dim3A_107 = arith.constant 0.000000e+00 : f32
    %broadcast_in_dim3A_108 = vector.broadcast %broadcast_in_dim3A_107 : f32 to vector<16xf32>
    %swap3A_109 = arith.constant 288 : index
    %swap3A_110 = tpu.vector_load %arg6[%swap3A_109] {strides = array<i32>} : memref<640xf32, #tpu.memory_space<vmem>>, vector<16xf32>,
    %swap3A_111 = vector.shape_cast %swap3A_110 : vector<16xf32> to vector<16xf32>
    %swap3A_112 = vector.shape_cast %broadcast_in_dim3A_108 : vector<16xf32> to vector<16xf32>
    tpu.vector_store %arg6[%swap3A_109], %swap3A_112 {strides = array<i32>} : memref<640xf32, #tpu.memory_space<vmem>>, vector<16xf32>,
    %broadcast_in_dim3A_113 = arith.constant 0.000000e+00 : f32
    %broadcast_in_dim3A_114 = vector.broadcast %broadcast_in_dim3A_113 : f32 to vector<16xf32>
    %swap3A_115 = arith.constant 304 : index
    %swap3A_116 = tpu.vector_load %arg6[%swap3A_115] {strides = array<i32>} : memref<640xf32, #tpu.memory_space<vmem>>, vector<16xf32>,
    %swap3A_117 = vector.shape_cast %swap3A_116 : vector<16xf32> to vector<16xf32>
    %swap3A_118 = vector.shape_cast %broadcast_in_dim3A_114 : vector<16xf32> to vector<16xf32>
    tpu.vector_store %arg6[%swap3A_115], %swap3A_118 {strides = array<i32>} : memref<640xf32, #tpu.memory_space<vmem>>, vector<16xf32>,
    %broadcast_in_dim3A_119 = arith.constant 0.000000e+00 : f32
    %broadcast_in_dim3A_120 = vector.broadcast %broadcast_in_dim3A_119 : f32 to vector<16xf32>
    %swap3A_121 = arith.constant 320 : index
    %swap3A_122 = tpu.vector_load %arg6[%swap3A_121] {strides = array<i32>} : memref<640xf32, #tpu.memory_space<vmem>>, vector<16xf32>,
    %swap3A_123 = vector.shape_cast %swap3A_122 : vector<16xf32> to vector<16xf32>
    %swap3A_124 = vector.shape_cast %broadcast_in_dim3A_120 : vector<16xf32> to vector<16xf32>
    tpu.vector_store %arg6[%swap3A_121], %swap3A_124 {strides = array<i32>} : memref<640xf32, #tpu.memory_space<vmem>>, vector<16xf32>,
    %broadcast_in_dim3A_125 = arith.constant 0.000000e+00 : f32
    %broadcast_in_dim3A_126 = vector.broadcast %broadcast_in_dim3A_125 : f32 to vector<16xf32>
    %swap3A_127 = arith.constant 336 : index
    %swap3A_128 = tpu.vector_load %arg6[%swap3A_127] {strides = array<i32>} : memref<640xf32, #tpu.memory_space<vmem>>, vector<16xf32>,
    %swap3A_129 = vector.shape_cast %swap3A_128 : vector<16xf32> to vector<16xf32>
    %swap3A_130 = vector.shape_cast %broadcast_in_dim3A_126 : vector<16xf32> to vector<16xf32>
    tpu.vector_store %arg6[%swap3A_127], %swap3A_130 {strides = array<i32>} : memref<640xf32, #tpu.memory_space<vmem>>, vector<16xf32>,
    %broadcast_in_dim3A_131 = arith.constant 0.000000e+00 : f32
    %broadcast_in_dim3A_132 = vector.broadcast %broadcast_in_dim3A_131 : f32 to vector<16xf32>
    %swap3A_133 = arith.constant 352 : index
    %swap3A_134 = tpu.vector_load %arg6[%swap3A_133] {strides = array<i32>} : memref<640xf32, #tpu.memory_space<vmem>>, vector<16xf32>,
    %swap3A_135 = vector.shape_cast %swap3A_134 : vector<16xf32> to vector<16xf32>
    %swap3A_136 = vector.shape_cast %broadcast_in_dim3A_132 : vector<16xf32> to vector<16xf32>
    tpu.vector_store %arg6[%swap3A_133], %swap3A_136 {strides = array<i32>} : memref<640xf32, #tpu.memory_space<vmem>>, vector<16xf32>,
    %broadcast_in_dim3A_137 = arith.constant 0.000000e+00 : f32
    %broadcast_in_dim3A_138 = vector.broadcast %broadcast_in_dim3A_137 : f32 to vector<16xf32>
    %swap3A_139 = arith.constant 368 : index
    %swap3A_140 = tpu.vector_load %arg6[%swap3A_139] {strides = array<i32>} : memref<640xf32, #tpu.memory_space<vmem>>, vector<16xf32>,
    %swap3A_141 = vector.shape_cast %swap3A_140 : vector<16xf32> to vector<16xf32>
    %swap3A_142 = vector.shape_cast %broadcast_in_dim3A_138 : vector<16xf32> to vector<16xf32>
    tpu.vector_store %arg6[%swap3A_139], %swap3A_142 {strides = array<i32>} : memref<640xf32, #tpu.memory_space<vmem>>, vector<16xf32>,
    %broadcast_in_dim3A_143 = arith.constant 0.000000e+00 : f32
    %broadcast_in_dim3A_144 = vector.broadcast %broadcast_in_dim3A_143 : f32 to vector<16xf32>
    %swap3A_145 = arith.constant 384 : index
    %swap3A_146 = tpu.vector_load %arg6[%swap3A_145] {strides = array<i32>} : memref<640xf32, #tpu.memory_space<vmem>>, vector<16xf32>,
    %swap3A_147 = vector.shape_cast %swap3A_146 : vector<16xf32> to vector<16xf32>
    %swap3A_148 = vector.shape_cast %broadcast_in_dim3A_144 : vector<16xf32> to vector<16xf32>
    tpu.vector_store %arg6[%swap3A_145], %swap3A_148 {strides = array<i32>} : memref<640xf32, #tpu.memory_space<vmem>>, vector<16xf32>,
    %broadcast_in_dim3A_149 = arith.constant 0.000000e+00 : f32
    %broadcast_in_dim3A_150 = vector.broadcast %broadcast_in_dim3A_149 : f32 to vector<16xf32>
    %swap3A_151 = arith.constant 400 : index
    %swap3A_152 = tpu.vector_load %arg6[%swap3A_151] {strides = array<i32>} : memref<640xf32, #tpu.memory_space<vmem>>, vector<16xf32>,
    %swap3A_153 = vector.shape_cast %swap3A_152 : vector<16xf32> to vector<16xf32>
    %swap3A_154 = vector.shape_cast %broadcast_in_dim3A_150 : vector<16xf32> to vector<16xf32>
    tpu.vector_store %arg6[%swap3A_151], %swap3A_154 {strides = array<i32>} : memref<640xf32, #tpu.memory_space<vmem>>, vector<16xf32>,
    %broadcast_in_dim3A_155 = arith.constant 0.000000e+00 : f32
    %broadcast_in_dim3A_156 = vector.broadcast %broadcast_in_dim3A_155 : f32 to vector<16xf32>
    %swap3A_157 = arith.constant 416 : index
    %swap3A_158 = tpu.vector_load %arg6[%swap3A_157] {strides = array<i32>} : memref<640xf32, #tpu.memory_space<vmem>>, vector<16xf32>,
    %swap3A_159 = vector.shape_cast %swap3A_158 : vector<16xf32> to vector<16xf32>
    %swap3A_160 = vector.shape_cast %broadcast_in_dim3A_156 : vector<16xf32> to vector<16xf32>
    tpu.vector_store %arg6[%swap3A_157], %swap3A_160 {strides = array<i32>} : memref<640xf32, #tpu.memory_space<vmem>>, vector<16xf32>,
    %broadcast_in_dim3A_161 = arith.constant 0.000000e+00 : f32
    %broadcast_in_dim3A_162 = vector.broadcast %broadcast_in_dim3A_161 : f32 to vector<16xf32>
    %swap3A_163 = arith.constant 432 : index
    %swap3A_164 = tpu.vector_load %arg6[%swap3A_163] {strides = array<i32>} : memref<640xf32, #tpu.memory_space<vmem>>, vector<16xf32>,
    %swap3A_165 = vector.shape_cast %swap3A_164 : vector<16xf32> to vector<16xf32>
    %swap3A_166 = vector.shape_cast %broadcast_in_dim3A_162 : vector<16xf32> to vector<16xf32>
    tpu.vector_store %arg6[%swap3A_163], %swap3A_166 {strides = array<i32>} : memref<640xf32, #tpu.memory_space<vmem>>, vector<16xf32>,
    %broadcast_in_dim3A_167 = arith.constant 0.000000e+00 : f32
    %broadcast_in_dim3A_168 = vector.broadcast %broadcast_in_dim3A_167 : f32 to vector<16xf32>
    %swap3A_169 = arith.constant 448 : index
    %swap3A_170 = tpu.vector_load %arg6[%swap3A_169] {strides = array<i32>} : memref<640xf32, #tpu.memory_space<vmem>>, vector<16xf32>,
    %swap3A_171 = vector.shape_cast %swap3A_170 : vector<16xf32> to vector<16xf32>
    %swap3A_172 = vector.shape_cast %broadcast_in_dim3A_168 : vector<16xf32> to vector<16xf32>
    tpu.vector_store %arg6[%swap3A_169], %swap3A_172 {strides = array<i32>} : memref<640xf32, #tpu.memory_space<vmem>>, vector<16xf32>,
    %broadcast_in_dim3A_173 = arith.constant 0.000000e+00 : f32
    %broadcast_in_dim3A_174 = vector.broadcast %broadcast_in_dim3A_173 : f32 to vector<16xf32>
    %swap3A_175 = arith.constant 464 : index
    %swap3A_176 = tpu.vector_load %arg6[%swap3A_175] {strides = array<i32>} : memref<640xf32, #tpu.memory_space<vmem>>, vector<16xf32>,
    %swap3A_177 = vector.shape_cast %swap3A_176 : vector<16xf32> to vector<16xf32>
    %swap3A_178 = vector.shape_cast %broadcast_in_dim3A_174 : vector<16xf32> to vector<16xf32>
    tpu.vector_store %arg6[%swap3A_175], %swap3A_178 {strides = array<i32>} : memref<640xf32, #tpu.memory_space<vmem>>, vector<16xf32>,
    %broadcast_in_dim3A_179 = arith.constant 0.000000e+00 : f32
    %broadcast_in_dim3A_180 = vector.broadcast %broadcast_in_dim3A_179 : f32 to vector<16xf32>
    %swap3A_181 = arith.constant 480 : index
    %swap3A_182 = tpu.vector_load %arg6[%swap3A_181] {strides = array<i32>} : memref<640xf32, #tpu.memory_space<vmem>>, vector<16xf32>,
    %swap3A_183 = vector.shape_cast %swap3A_182 : vector<16xf32> to vector<16xf32>
    %swap3A_184 = vector.shape_cast %broadcast_in_dim3A_180 : vector<16xf32> to vector<16xf32>
    tpu.vector_store %arg6[%swap3A_181], %swap3A_184 {strides = array<i32>} : memref<640xf32, #tpu.memory_space<vmem>>, vector<16xf32>,
    %broadcast_in_dim3A_185 = arith.constant 0.000000e+00 : f32
    %broadcast_in_dim3A_186 = vector.broadcast %broadcast_in_dim3A_185 : f32 to vector<16xf32>
    %swap3A_187 = arith.constant 496 : index
    %swap3A_188 = tpu.vector_load %arg6[%swap3A_187] {strides = array<i32>} : memref<640xf32, #tpu.memory_space<vmem>>, vector<16xf32>,
    %swap3A_189 = vector.shape_cast %swap3A_188 : vector<16xf32> to vector<16xf32>
    %swap3A_190 = vector.shape_cast %broadcast_in_dim3A_186 : vector<16xf32> to vector<16xf32>
    tpu.vector_store %arg6[%swap3A_187], %swap3A_190 {strides = array<i32>} : memref<640xf32, #tpu.memory_space<vmem>>, vector<16xf32>,
    %broadcast_in_dim3A_191 = arith.constant 0.000000e+00 : f32
    %broadcast_in_dim3A_192 = vector.broadcast %broadcast_in_dim3A_191 : f32 to vector<16xf32>
    %swap3A_193 = arith.constant 512 : index
    %swap3A_194 = tpu.vector_load %arg6[%swap3A_193] {strides = array<i32>} : memref<640xf32, #tpu.memory_space<vmem>>, vector<16xf32>,
    %swap3A_195 = vector.shape_cast %swap3A_194 : vector<16xf32> to vector<16xf32>
    %swap3A_196 = vector.shape_cast %broadcast_in_dim3A_192 : vector<16xf32> to vector<16xf32>
    tpu.vector_store %arg6[%swap3A_193], %swap3A_196 {strides = array<i32>} : memref<640xf32, #tpu.memory_space<vmem>>, vector<16xf32>,
    %broadcast_in_dim3A_197 = arith.constant 0.000000e+00 : f32
    %broadcast_in_dim3A_198 = vector.broadcast %broadcast_in_dim3A_197 : f32 to vector<16xf32>
    %swap3A_199 = arith.constant 528 : index
    %swap3A_200 = tpu.vector_load %arg6[%swap3A_199] {strides = array<i32>} : memref<640xf32, #tpu.memory_space<vmem>>, vector<16xf32>,
    %swap3A_201 = vector.shape_cast %swap3A_200 : vector<16xf32> to vector<16xf32>
    %swap3A_202 = vector.shape_cast %broadcast_in_dim3A_198 : vector<16xf32> to vector<16xf32>
    tpu.vector_store %arg6[%swap3A_199], %swap3A_202 {strides = array<i32>} : memref<640xf32, #tpu.memory_space<vmem>>, vector<16xf32>,
    %broadcast_in_dim3A_203 = arith.constant 0.000000e+00 : f32
    %broadcast_in_dim3A_204 = vector.broadcast %broadcast_in_dim3A_203 : f32 to vector<16xf32>
    %swap3A_205 = arith.constant 544 : index
    %swap3A_206 = tpu.vector_load %arg6[%swap3A_205] {strides = array<i32>} : memref<640xf32, #tpu.memory_space<vmem>>, vector<16xf32>,
    %swap3A_207 = vector.shape_cast %swap3A_206 : vector<16xf32> to vector<16xf32>
    %swap3A_208 = vector.shape_cast %broadcast_in_dim3A_204 : vector<16xf32> to vector<16xf32>
    tpu.vector_store %arg6[%swap3A_205], %swap3A_208 {strides = array<i32>} : memref<640xf32, #tpu.memory_space<vmem>>, vector<16xf32>,
    %broadcast_in_dim3A_209 = arith.constant 0.000000e+00 : f32
    %broadcast_in_dim3A_210 = vector.broadcast %broadcast_in_dim3A_209 : f32 to vector<16xf32>
    %swap3A_211 = arith.constant 560 : index
    %swap3A_212 = tpu.vector_load %arg6[%swap3A_211] {strides = array<i32>} : memref<640xf32, #tpu.memory_space<vmem>>, vector<16xf32>,
    %swap3A_213 = vector.shape_cast %swap3A_212 : vector<16xf32> to vector<16xf32>
    %swap3A_214 = vector.shape_cast %broadcast_in_dim3A_210 : vector<16xf32> to vector<16xf32>
    tpu.vector_store %arg6[%swap3A_211], %swap3A_214 {strides = array<i32>} : memref<640xf32, #tpu.memory_space<vmem>>, vector<16xf32>,
    %broadcast_in_dim3A_215 = arith.constant 0.000000e+00 : f32
    %broadcast_in_dim3A_216 = vector.broadcast %broadcast_in_dim3A_215 : f32 to vector<16xf32>
    %swap3A_217 = arith.constant 576 : index
    %swap3A_218 = tpu.vector_load %arg6[%swap3A_217] {strides = array<i32>} : memref<640xf32, #tpu.memory_space<vmem>>, vector<16xf32>,
    %swap3A_219 = vector.shape_cast %swap3A_218 : vector<16xf32> to vector<16xf32>
    %swap3A_220 = vector.shape_cast %broadcast_in_dim3A_216 : vector<16xf32> to vector<16xf32>
    tpu.vector_store %arg6[%swap3A_217], %swap3A_220 {strides = array<i32>} : memref<640xf32, #tpu.memory_space<vmem>>, vector<16xf32>,
    %broadcast_in_dim3A_221 = arith.constant 0.000000e+00 : f32
    %broadcast_in_dim3A_222 = vector.broadcast %broadcast_in_dim3A_221 : f32 to vector<16xf32>
    %swap3A_223 = arith.constant 592 : index
    %swap3A_224 = tpu.vector_load %arg6[%swap3A_223] {strides = array<i32>} : memref<640xf32, #tpu.memory_space<vmem>>, vector<16xf32>,
    %swap3A_225 = vector.shape_cast %swap3A_224 : vector<16xf32> to vector<16xf32>
    %swap3A_226 = vector.shape_cast %broadcast_in_dim3A_222 : vector<16xf32> to vector<16xf32>
    tpu.vector_store %arg6[%swap3A_223], %swap3A_226 {strides = array<i32>} : memref<640xf32, #tpu.memory_space<vmem>>, vector<16xf32>,
    %broadcast_in_dim3A_227 = arith.constant 0.000000e+00 : f32
    %broadcast_in_dim3A_228 = vector.broadcast %broadcast_in_dim3A_227 : f32 to vector<16xf32>
    %swap3A_229 = arith.constant 608 : index
    %swap3A_230 = tpu.vector_load %arg6[%swap3A_229] {strides = array<i32>} : memref<640xf32, #tpu.memory_space<vmem>>, vector<16xf32>,
    %swap3A_231 = vector.shape_cast %swap3A_230 : vector<16xf32> to vector<16xf32>
    %swap3A_232 = vector.shape_cast %broadcast_in_dim3A_228 : vector<16xf32> to vector<16xf32>
    tpu.vector_store %arg6[%swap3A_229], %swap3A_232 {strides = array<i32>} : memref<640xf32, #tpu.memory_space<vmem>>, vector<16xf32>,
    %broadcast_in_dim3A_233 = arith.constant 0.000000e+00 : f32
    %broadcast_in_dim3A_234 = vector.broadcast %broadcast_in_dim3A_233 : f32 to vector<16xf32>
    %swap3A_235 = arith.constant 624 : index
    %swap3A_236 = tpu.vector_load %arg6[%swap3A_235] {strides = array<i32>} : memref<640xf32, #tpu.memory_space<vmem>>, vector<16xf32>,
    %swap3A_237 = vector.shape_cast %swap3A_236 : vector<16xf32> to vector<16xf32>
    %swap3A_238 = vector.shape_cast %broadcast_in_dim3A_234 : vector<16xf32> to vector<16xf32>
    tpu.vector_store %arg6[%swap3A_235], %swap3A_238 {strides = array<i32>} : memref<640xf32, #tpu.memory_space<vmem>>, vector<16xf32>,
    %broadcast_in_dim3A_239 = arith.constant 1.000000e+00 : f32
    %broadcast_in_dim3A_240 = vector.broadcast %broadcast_in_dim3A_239 : f32 to vector<16xf32>
    %swap3A_241 = arith.constant 0 : index
    %swap3A_242 = tpu.vector_load %arg5[%swap3A_241] {strides = array<i32>} : memref<128xf32, #tpu.memory_space<vmem>>, vector<16xf32>,
    %swap3A_243 = vector.shape_cast %swap3A_242 : vector<16xf32> to vector<16xf32>
    %swap3A_244 = vector.shape_cast %broadcast_in_dim3A_240 : vector<16xf32> to vector<16xf32>
    tpu.vector_store %arg5[%swap3A_241], %swap3A_244 {strides = array<i32>} : memref<128xf32, #tpu.memory_space<vmem>>, vector<16xf32>,
    %broadcast_in_dim3A_245 = arith.constant 1.000000e+00 : f32
    %broadcast_in_dim3A_246 = vector.broadcast %broadcast_in_dim3A_245 : f32 to vector<16xf32>
    %swap3A_247 = arith.constant 16 : index
    %swap3A_248 = tpu.vector_load %arg5[%swap3A_247] {strides = array<i32>} : memref<128xf32, #tpu.memory_space<vmem>>, vector<16xf32>,
    %swap3A_249 = vector.shape_cast %swap3A_248 : vector<16xf32> to vector<16xf32>
    %swap3A_250 = vector.shape_cast %broadcast_in_dim3A_246 : vector<16xf32> to vector<16xf32>
    tpu.vector_store %arg5[%swap3A_247], %swap3A_250 {strides = array<i32>} : memref<128xf32, #tpu.memory_space<vmem>>, vector<16xf32>,
    %broadcast_in_dim3A_251 = arith.constant 1.000000e+00 : f32
    %broadcast_in_dim3A_252 = vector.broadcast %broadcast_in_dim3A_251 : f32 to vector<16xf32>
    %swap3A_253 = arith.constant 32 : index
    %swap3A_254 = tpu.vector_load %arg5[%swap3A_253] {strides = array<i32>} : memref<128xf32, #tpu.memory_space<vmem>>, vector<16xf32>,
    %swap3A_255 = vector.shape_cast %swap3A_254 : vector<16xf32> to vector<16xf32>
    %swap3A_256 = vector.shape_cast %broadcast_in_dim3A_252 : vector<16xf32> to vector<16xf32>
    tpu.vector_store %arg5[%swap3A_253], %swap3A_256 {strides = array<i32>} : memref<128xf32, #tpu.memory_space<vmem>>, vector<16xf32>,
    %broadcast_in_dim3A_257 = arith.constant 1.000000e+00 : f32
    %broadcast_in_dim3A_258 = vector.broadcast %broadcast_in_dim3A_257 : f32 to vector<16xf32>
    %swap3A_259 = arith.constant 48 : index
    %swap3A_260 = tpu.vector_load %arg5[%swap3A_259] {strides = array<i32>} : memref<128xf32, #tpu.memory_space<vmem>>, vector<16xf32>,
    %swap3A_261 = vector.shape_cast %swap3A_260 : vector<16xf32> to vector<16xf32>
    %swap3A_262 = vector.shape_cast %broadcast_in_dim3A_258 : vector<16xf32> to vector<16xf32>
    tpu.vector_store %arg5[%swap3A_259], %swap3A_262 {strides = array<i32>} : memref<128xf32, #tpu.memory_space<vmem>>, vector<16xf32>,
    %broadcast_in_dim3A_263 = arith.constant 1.000000e+00 : f32
    %broadcast_in_dim3A_264 = vector.broadcast %broadcast_in_dim3A_263 : f32 to vector<16xf32>
    %swap3A_265 = arith.constant 64 : index
    %swap3A_266 = tpu.vector_load %arg5[%swap3A_265] {strides = array<i32>} : memref<128xf32, #tpu.memory_space<vmem>>, vector<16xf32>,
    %swap3A_267 = vector.shape_cast %swap3A_266 : vector<16xf32> to vector<16xf32>
    %swap3A_268 = vector.shape_cast %broadcast_in_dim3A_264 : vector<16xf32> to vector<16xf32>
    tpu.vector_store %arg5[%swap3A_265], %swap3A_268 {strides = array<i32>} : memref<128xf32, #tpu.memory_space<vmem>>, vector<16xf32>,
    %broadcast_in_dim3A_269 = arith.constant 1.000000e+00 : f32
    %broadcast_in_dim3A_270 = vector.broadcast %broadcast_in_dim3A_269 : f32 to vector<16xf32>
    %swap3A_271 = arith.constant 80 : index
    %swap3A_272 = tpu.vector_load %arg5[%swap3A_271] {strides = array<i32>} : memref<128xf32, #tpu.memory_space<vmem>>, vector<16xf32>,
    %swap3A_273 = vector.shape_cast %swap3A_272 : vector<16xf32> to vector<16xf32>
    %swap3A_274 = vector.shape_cast %broadcast_in_dim3A_270 : vector<16xf32> to vector<16xf32>
    tpu.vector_store %arg5[%swap3A_271], %swap3A_274 {strides = array<i32>} : memref<128xf32, #tpu.memory_space<vmem>>, vector<16xf32>,
    %broadcast_in_dim3A_275 = arith.constant 1.000000e+00 : f32
    %broadcast_in_dim3A_276 = vector.broadcast %broadcast_in_dim3A_275 : f32 to vector<16xf32>
    %swap3A_277 = arith.constant 96 : index
    %swap3A_278 = tpu.vector_load %arg5[%swap3A_277] {strides = array<i32>} : memref<128xf32, #tpu.memory_space<vmem>>, vector<16xf32>,
    %swap3A_279 = vector.shape_cast %swap3A_278 : vector<16xf32> to vector<16xf32>
    %swap3A_280 = vector.shape_cast %broadcast_in_dim3A_276 : vector<16xf32> to vector<16xf32>
    tpu.vector_store %arg5[%swap3A_277], %swap3A_280 {strides = array<i32>} : memref<128xf32, #tpu.memory_space<vmem>>, vector<16xf32>,
    %broadcast_in_dim3A_281 = arith.constant 1.000000e+00 : f32
    %broadcast_in_dim3A_282 = vector.broadcast %broadcast_in_dim3A_281 : f32 to vector<16xf32>
    %swap3A_283 = arith.constant 112 : index
    %swap3A_284 = tpu.vector_load %arg5[%swap3A_283] {strides = array<i32>} : memref<128xf32, #tpu.memory_space<vmem>>, vector<16xf32>,
    %swap3A_285 = vector.shape_cast %swap3A_284 : vector<16xf32> to vector<16xf32>
    %swap3A_286 = vector.shape_cast %broadcast_in_dim3A_282 : vector<16xf32> to vector<16xf32>
    tpu.vector_store %arg5[%swap3A_283], %swap3A_286 {strides = array<i32>} : memref<128xf32, #tpu.memory_space<vmem>>, vector<16xf32>,
    %mul3A_287 = arith.constant 640 : i32
    %mul3A_288 = arith.muli %arg1, %mul3A_287 : i32
    "tpu.region"() ({
      %run_scoped3A = tpu.sem_alloc : memref<!tpu.dma_semaphore, #tpu.memory_space<semaphore_mem>>
      %dma_start3A = tpu.memref_slice %arg7[%mul3A_288] : memref<10240xf32, #tpu.memory_space<vmem_shared>> -> memref<640xf32, #tpu.memory_space<vmem_shared>>
      %dma_start3A_299 = tpu.memref_slice %arg7[%mul3A_288] : memref<10240xf32, #tpu.memory_space<vmem_shared>> -> memref<640xf32, #tpu.memory_space<vmem_shared>>
      tpu.enqueue_dma source(%arg6 : memref<640xf32, #tpu.memory_space<vmem>>) target(%dma_start3A_299 : memref<640xf32, #tpu.memory_space<vmem_shared>>) target_semaphore(%run_scoped3A : memref<!tpu.dma_semaphore, #tpu.memory_space<semaphore_mem>>)
      %dma_wait3A = tpu.memref_slice %arg7[%mul3A_288] : memref<10240xf32, #tpu.memory_space<vmem_shared>> -> memref<640xf32, #tpu.memory_space<vmem_shared>>
      %dma_wait3A_300 = tpu.memref_slice %arg7[%mul3A_288] : memref<10240xf32, #tpu.memory_space<vmem_shared>> -> memref<640xf32, #tpu.memory_space<vmem_shared>>
      tpu.wait_dma2 semaphore(%run_scoped3A : memref<!tpu.dma_semaphore, #tpu.memory_space<semaphore_mem>>) src(%arg6 : memref<640xf32, #tpu.memory_space<vmem>>) dst(%dma_wait3A_300 : memref<640xf32, #tpu.memory_space<vmem_shared>>)
      tpu.yield
    }) : () -> ()
    "tpu.region"() ({
      %run_scoped3A = tpu.sem_alloc : memref<!tpu.dma_semaphore, #tpu.memory_space<semaphore_mem>>
      %dma_start3A = arith.constant 0 : i32
      %dma_start3A_299 = arith.constant 0 : i32
      %dma_start3A_300 = tpu.memref_slice %arg2[%add3A, %dma_start3A, %dma_start3A_299] : memref<32x80x128xi32, #tpu.memory_space<hbm>> -> memref<1x80x128xi32, #tpu.memory_space<hbm>>
      %dma_start3A_301 = tpu.memref_squeeze %dma_start3A_300 : memref<1x80x128xi32, #tpu.memory_space<hbm>> -> memref<80x128xi32, #tpu.memory_space<hbm>>
      %dma_start3A_302 = arith.constant 0 : i32
      %dma_start3A_303 = arith.constant 0 : i32
      %dma_start3A_304 = tpu.memref_slice %arg2[%add3A, %dma_start3A_302, %dma_start3A_303] : memref<32x80x128xi32, #tpu.memory_space<hbm>> -> memref<1x80x128xi32, #tpu.memory_space<hbm>>
      %dma_start3A_305 = tpu.memref_squeeze %dma_start3A_304 : memref<1x80x128xi32, #tpu.memory_space<hbm>> -> memref<80x128xi32, #tpu.memory_space<hbm>>
      tpu.enqueue_dma source(%dma_start3A_305 : memref<80x128xi32, #tpu.memory_space<hbm>>) target(%arg4 : memref<80x128xi32, #tpu.memory_space<vmem>>) target_semaphore(%run_scoped3A : memref<!tpu.dma_semaphore, #tpu.memory_space<semaphore_mem>>)
      %dma_wait3A = arith.constant 0 : i32
      %dma_wait3A_306 = arith.constant 0 : i32
      %dma_wait3A_307 = tpu.memref_slice %arg2[%add3A, %dma_wait3A, %dma_wait3A_306] : memref<32x80x128xi32, #tpu.memory_space<hbm>> -> memref<1x80x128xi32, #tpu.memory_space<hbm>>
      %dma_wait3A_308 = tpu.memref_squeeze %dma_wait3A_307 : memref<1x80x128xi32, #tpu.memory_space<hbm>> -> memref<80x128xi32, #tpu.memory_space<hbm>>
      %dma_wait3A_309 = arith.constant 0 : i32
      %dma_wait3A_310 = arith.constant 0 : i32
      %dma_wait3A_311 = tpu.memref_slice %arg2[%add3A, %dma_wait3A_309, %dma_wait3A_310] : memref<32x80x128xi32, #tpu.memory_space<hbm>> -> memref<1x80x128xi32, #tpu.memory_space<hbm>>
      %dma_wait3A_312 = tpu.memref_squeeze %dma_wait3A_311 : memref<1x80x128xi32, #tpu.memory_space<hbm>> -> memref<80x128xi32, #tpu.memory_space<hbm>>
      tpu.wait_dma2 semaphore(%run_scoped3A : memref<!tpu.dma_semaphore, #tpu.memory_space<semaphore_mem>>) src(%dma_wait3A_312 : memref<80x128xi32, #tpu.memory_space<hbm>>) dst(%arg4 : memref<80x128xi32, #tpu.memory_space<vmem>>)
      tpu.yield
    }) : () -> ()
    %barrier3A = arith.constant 0 : index
    tpu.barrier barrier_id(%barrier3A)
    %scan3A = arith.constant 0 : i32
    %scan3A_289 = arith.constant 0 : i32
    %scan3A_290 = arith.constant 10 : i32
    %scan3A_291 = arith.addi %scan3A_289, %scan3A_290 : i32
    %scan3A_292 = arith.constant 1 : i32
    scf.for %scan3A_299 = %scan3A_289 to %scan3A_291 step %scan3A_292  : i32 {
      %mul3A_300 = arith.constant 8 : i32
      %mul3A_301 = arith.muli %scan3A_299, %mul3A_300 : i32
      %add3A_302 = arith.constant 0 : i32
      %add3A_303 = arith.addi %mul3A_301, %add3A_302 : i32
      %dma_start3A = arith.constant 0 : i32
      %dma_start3A_304 = tpu.memref_slice %arg4[%add3A_303, %dma_start3A] : memref<80x128xi32, #tpu.memory_space<vmem>> -> memref<1x128xi32, #tpu.memory_space<vmem>>
      %dma_start3A_305 = tpu.memref_squeeze %dma_start3A_304 : memref<1x128xi32, #tpu.memory_space<vmem>> -> memref<128xi32, #tpu.memory_space<vmem>>
      %dma_start3A_306 = arith.constant 0 : i32
      %dma_start3A_307 = tpu.memref_slice %arg7[%dma_start3A_306] : memref<10240xf32, #tpu.memory_space<vmem_shared>> -> memref<10240xf32, #tpu.memory_space<vmem_shared>>
      tpu.enqueue_indirect_dma source(%arg5 : memref<128xf32, #tpu.memory_space<vmem>>) target(%dma_start3A_307 : memref<10240xf32, #tpu.memory_space<vmem_shared>>) offsets(%dma_start3A_305 : memref<128xi32, #tpu.memory_space<vmem>>) semaphore(%arg8 : memref<!tpu.dma_semaphore, #tpu.memory_space<semaphore_mem>>) {add = true}
      %mul3A_308 = arith.constant 8 : i32
      %mul3A_309 = arith.muli %scan3A_299, %mul3A_308 : i32
      %add3A_310 = arith.constant 1 : i32
      %add3A_311 = arith.addi %mul3A_309, %add3A_310 : i32
      %dma_start3A_312 = arith.constant 0 : i32
      %dma_start3A_313 = tpu.memref_slice %arg4[%add3A_311, %dma_start3A_312] : memref<80x128xi32, #tpu.memory_space<vmem>> -> memref<1x128xi32, #tpu.memory_space<vmem>>
      %dma_start3A_314 = tpu.memref_squeeze %dma_start3A_313 : memref<1x128xi32, #tpu.memory_space<vmem>> -> memref<128xi32, #tpu.memory_space<vmem>>
      %dma_start3A_315 = arith.constant 0 : i32
      %dma_start3A_316 = tpu.memref_slice %arg7[%dma_start3A_315] : memref<10240xf32, #tpu.memory_space<vmem_shared>> -> memref<10240xf32, #tpu.memory_space<vmem_shared>>
      tpu.enqueue_indirect_dma source(%arg5 : memref<128xf32, #tpu.memory_space<vmem>>) target(%dma_start3A_316 : memref<10240xf32, #tpu.memory_space<vmem_shared>>) offsets(%dma_start3A_314 : memref<128xi32, #tpu.memory_space<vmem>>) semaphore(%arg8 : memref<!tpu.dma_semaphore, #tpu.memory_space<semaphore_mem>>) {add = true}
      %mul3A_317 = arith.constant 8 : i32
      %mul3A_318 = arith.muli %scan3A_299, %mul3A_317 : i32
      %add3A_319 = arith.constant 2 : i32
      %add3A_320 = arith.addi %mul3A_318, %add3A_319 : i32
      %dma_start3A_321 = arith.constant 0 : i32
      %dma_start3A_322 = tpu.memref_slice %arg4[%add3A_320, %dma_start3A_321] : memref<80x128xi32, #tpu.memory_space<vmem>> -> memref<1x128xi32, #tpu.memory_space<vmem>>
      %dma_start3A_323 = tpu.memref_squeeze %dma_start3A_322 : memref<1x128xi32, #tpu.memory_space<vmem>> -> memref<128xi32, #tpu.memory_space<vmem>>
      %dma_start3A_324 = arith.constant 0 : i32
      %dma_start3A_325 = tpu.memref_slice %arg7[%dma_start3A_324] : memref<10240xf32, #tpu.memory_space<vmem_shared>> -> memref<10240xf32, #tpu.memory_space<vmem_shared>>
      tpu.enqueue_indirect_dma source(%arg5 : memref<128xf32, #tpu.memory_space<vmem>>) target(%dma_start3A_325 : memref<10240xf32, #tpu.memory_space<vmem_shared>>) offsets(%dma_start3A_323 : memref<128xi32, #tpu.memory_space<vmem>>) semaphore(%arg8 : memref<!tpu.dma_semaphore, #tpu.memory_space<semaphore_mem>>) {add = true}
      %mul3A_326 = arith.constant 8 : i32
      %mul3A_327 = arith.muli %scan3A_299, %mul3A_326 : i32
      %add3A_328 = arith.constant 3 : i32
      %add3A_329 = arith.addi %mul3A_327, %add3A_328 : i32
      %dma_start3A_330 = arith.constant 0 : i32
      %dma_start3A_331 = tpu.memref_slice %arg4[%add3A_329, %dma_start3A_330] : memref<80x128xi32, #tpu.memory_space<vmem>> -> memref<1x128xi32, #tpu.memory_space<vmem>>
      %dma_start3A_332 = tpu.memref_squeeze %dma_start3A_331 : memref<1x128xi32, #tpu.memory_space<vmem>> -> memref<128xi32, #tpu.memory_space<vmem>>
      %dma_start3A_333 = arith.constant 0 : i32
      %dma_start3A_334 = tpu.memref_slice %arg7[%dma_start3A_333] : memref<10240xf32, #tpu.memory_space<vmem_shared>> -> memref<10240xf32, #tpu.memory_space<vmem_shared>>
      tpu.enqueue_indirect_dma source(%arg5 : memref<128xf32, #tpu.memory_space<vmem>>) target(%dma_start3A_334 : memref<10240xf32, #tpu.memory_space<vmem_shared>>) offsets(%dma_start3A_332 : memref<128xi32, #tpu.memory_space<vmem>>) semaphore(%arg8 : memref<!tpu.dma_semaphore, #tpu.memory_space<semaphore_mem>>) {add = true}
      %mul3A_335 = arith.constant 8 : i32
      %mul3A_336 = arith.muli %scan3A_299, %mul3A_335 : i32
      %add3A_337 = arith.constant 4 : i32
      %add3A_338 = arith.addi %mul3A_336, %add3A_337 : i32
      %dma_start3A_339 = arith.constant 0 : i32
      %dma_start3A_340 = tpu.memref_slice %arg4[%add3A_338, %dma_start3A_339] : memref<80x128xi32, #tpu.memory_space<vmem>> -> memref<1x128xi32, #tpu.memory_space<vmem>>
      %dma_start3A_341 = tpu.memref_squeeze %dma_start3A_340 : memref<1x128xi32, #tpu.memory_space<vmem>> -> memref<128xi32, #tpu.memory_space<vmem>>
      %dma_start3A_342 = arith.constant 0 : i32
      %dma_start3A_343 = tpu.memref_slice %arg7[%dma_start3A_342] : memref<10240xf32, #tpu.memory_space<vmem_shared>> -> memref<10240xf32, #tpu.memory_space<vmem_shared>>
      tpu.enqueue_indirect_dma source(%arg5 : memref<128xf32, #tpu.memory_space<vmem>>) target(%dma_start3A_343 : memref<10240xf32, #tpu.memory_space<vmem_shared>>) offsets(%dma_start3A_341 : memref<128xi32, #tpu.memory_space<vmem>>) semaphore(%arg8 : memref<!tpu.dma_semaphore, #tpu.memory_space<semaphore_mem>>) {add = true}
      %mul3A_344 = arith.constant 8 : i32
      %mul3A_345 = arith.muli %scan3A_299, %mul3A_344 : i32
      %add3A_346 = arith.constant 5 : i32
      %add3A_347 = arith.addi %mul3A_345, %add3A_346 : i32
      %dma_start3A_348 = arith.constant 0 : i32
      %dma_start3A_349 = tpu.memref_slice %arg4[%add3A_347, %dma_start3A_348] : memref<80x128xi32, #tpu.memory_space<vmem>> -> memref<1x128xi32, #tpu.memory_space<vmem>>
      %dma_start3A_350 = tpu.memref_squeeze %dma_start3A_349 : memref<1x128xi32, #tpu.memory_space<vmem>> -> memref<128xi32, #tpu.memory_space<vmem>>
      %dma_start3A_351 = arith.constant 0 : i32
      %dma_start3A_352 = tpu.memref_slice %arg7[%dma_start3A_351] : memref<10240xf32, #tpu.memory_space<vmem_shared>> -> memref<10240xf32, #tpu.memory_space<vmem_shared>>
      tpu.enqueue_indirect_dma source(%arg5 : memref<128xf32, #tpu.memory_space<vmem>>) target(%dma_start3A_352 : memref<10240xf32, #tpu.memory_space<vmem_shared>>) offsets(%dma_start3A_350 : memref<128xi32, #tpu.memory_space<vmem>>) semaphore(%arg8 : memref<!tpu.dma_semaphore, #tpu.memory_space<semaphore_mem>>) {add = true}
      %mul3A_353 = arith.constant 8 : i32
      %mul3A_354 = arith.muli %scan3A_299, %mul3A_353 : i32
      %add3A_355 = arith.constant 6 : i32
      %add3A_356 = arith.addi %mul3A_354, %add3A_355 : i32
      %dma_start3A_357 = arith.constant 0 : i32
      %dma_start3A_358 = tpu.memref_slice %arg4[%add3A_356, %dma_start3A_357] : memref<80x128xi32, #tpu.memory_space<vmem>> -> memref<1x128xi32, #tpu.memory_space<vmem>>
      %dma_start3A_359 = tpu.memref_squeeze %dma_start3A_358 : memref<1x128xi32, #tpu.memory_space<vmem>> -> memref<128xi32, #tpu.memory_space<vmem>>
      %dma_start3A_360 = arith.constant 0 : i32
      %dma_start3A_361 = tpu.memref_slice %arg7[%dma_start3A_360] : memref<10240xf32, #tpu.memory_space<vmem_shared>> -> memref<10240xf32, #tpu.memory_space<vmem_shared>>
      tpu.enqueue_indirect_dma source(%arg5 : memref<128xf32, #tpu.memory_space<vmem>>) target(%dma_start3A_361 : memref<10240xf32, #tpu.memory_space<vmem_shared>>) offsets(%dma_start3A_359 : memref<128xi32, #tpu.memory_space<vmem>>) semaphore(%arg8 : memref<!tpu.dma_semaphore, #tpu.memory_space<semaphore_mem>>) {add = true}
      %mul3A_362 = arith.constant 8 : i32
      %mul3A_363 = arith.muli %scan3A_299, %mul3A_362 : i32
      %add3A_364 = arith.constant 7 : i32
      %add3A_365 = arith.addi %mul3A_363, %add3A_364 : i32
      %dma_start3A_366 = arith.constant 0 : i32
      %dma_start3A_367 = tpu.memref_slice %arg4[%add3A_365, %dma_start3A_366] : memref<80x128xi32, #tpu.memory_space<vmem>> -> memref<1x128xi32, #tpu.memory_space<vmem>>
      %dma_start3A_368 = tpu.memref_squeeze %dma_start3A_367 : memref<1x128xi32, #tpu.memory_space<vmem>> -> memref<128xi32, #tpu.memory_space<vmem>>
      %dma_start3A_369 = arith.constant 0 : i32
      %dma_start3A_370 = tpu.memref_slice %arg7[%dma_start3A_369] : memref<10240xf32, #tpu.memory_space<vmem_shared>> -> memref<10240xf32, #tpu.memory_space<vmem_shared>>
      tpu.enqueue_indirect_dma source(%arg5 : memref<128xf32, #tpu.memory_space<vmem>>) target(%dma_start3A_370 : memref<10240xf32, #tpu.memory_space<vmem_shared>>) offsets(%dma_start3A_368 : memref<128xi32, #tpu.memory_space<vmem>>) semaphore(%arg8 : memref<!tpu.dma_semaphore, #tpu.memory_space<semaphore_mem>>) {add = true}
      %mul3A_371 = arith.constant 8 : i32
      %mul3A_372 = arith.muli %scan3A_299, %mul3A_371 : i32
      %add3A_373 = arith.constant 0 : i32
      %add3A_374 = arith.addi %mul3A_372, %add3A_373 : i32
      %dma_wait3A = arith.constant 0 : i32
      %dma_wait3A_375 = tpu.memref_slice %arg4[%add3A_374, %dma_wait3A] : memref<80x128xi32, #tpu.memory_space<vmem>> -> memref<1x128xi32, #tpu.memory_space<vmem>>
      %dma_wait3A_376 = tpu.memref_squeeze %dma_wait3A_375 : memref<1x128xi32, #tpu.memory_space<vmem>> -> memref<128xi32, #tpu.memory_space<vmem>>
      %dma_wait3A_377 = arith.constant 0 : i32
      %dma_wait3A_378 = tpu.memref_slice %arg7[%dma_wait3A_377] : memref<10240xf32, #tpu.memory_space<vmem_shared>> -> memref<10240xf32, #tpu.memory_space<vmem_shared>>
      tpu.wait_indirect_dma semaphore(%arg8 : memref<!tpu.dma_semaphore, #tpu.memory_space<semaphore_mem>>) src(%arg5 : memref<128xf32, #tpu.memory_space<vmem>>) dst(%dma_wait3A_378 : memref<10240xf32, #tpu.memory_space<vmem_shared>>)
      %mul3A_379 = arith.constant 8 : i32
      %mul3A_380 = arith.muli %scan3A_299, %mul3A_379 : i32
      %add3A_381 = arith.constant 1 : i32
      %add3A_382 = arith.addi %mul3A_380, %add3A_381 : i32
      %dma_wait3A_383 = arith.constant 0 : i32
      %dma_wait3A_384 = tpu.memref_slice %arg4[%add3A_382, %dma_wait3A_383] : memref<80x128xi32, #tpu.memory_space<vmem>> -> memref<1x128xi32, #tpu.memory_space<vmem>>
      %dma_wait3A_385 = tpu.memref_squeeze %dma_wait3A_384 : memref<1x128xi32, #tpu.memory_space<vmem>> -> memref<128xi32, #tpu.memory_space<vmem>>
      %dma_wait3A_386 = arith.constant 0 : i32
      %dma_wait3A_387 = tpu.memref_slice %arg7[%dma_wait3A_386] : memref<10240xf32, #tpu.memory_space<vmem_shared>> -> memref<10240xf32, #tpu.memory_space<vmem_shared>>
      tpu.wait_indirect_dma semaphore(%arg8 : memref<!tpu.dma_semaphore, #tpu.memory_space<semaphore_mem>>) src(%arg5 : memref<128xf32, #tpu.memory_space<vmem>>) dst(%dma_wait3A_387 : memref<10240xf32, #tpu.memory_space<vmem_shared>>)
      %mul3A_388 = arith.constant 8 : i32
      %mul3A_389 = arith.muli %scan3A_299, %mul3A_388 : i32
      %add3A_390 = arith.constant 2 : i32
      %add3A_391 = arith.addi %mul3A_389, %add3A_390 : i32
      %dma_wait3A_392 = arith.constant 0 : i32
      %dma_wait3A_393 = tpu.memref_slice %arg4[%add3A_391, %dma_wait3A_392] : memref<80x128xi32, #tpu.memory_space<vmem>> -> memref<1x128xi32, #tpu.memory_space<vmem>>
      %dma_wait3A_394 = tpu.memref_squeeze %dma_wait3A_393 : memref<1x128xi32, #tpu.memory_space<vmem>> -> memref<128xi32, #tpu.memory_space<vmem>>
      %dma_wait3A_395 = arith.constant 0 : i32
      %dma_wait3A_396 = tpu.memref_slice %arg7[%dma_wait3A_395] : memref<10240xf32, #tpu.memory_space<vmem_shared>> -> memref<10240xf32, #tpu.memory_space<vmem_shared>>
      tpu.wait_indirect_dma semaphore(%arg8 : memref<!tpu.dma_semaphore, #tpu.memory_space<semaphore_mem>>) src(%arg5 : memref<128xf32, #tpu.memory_space<vmem>>) dst(%dma_wait3A_396 : memref<10240xf32, #tpu.memory_space<vmem_shared>>)
      %mul3A_397 = arith.constant 8 : i32
      %mul3A_398 = arith.muli %scan3A_299, %mul3A_397 : i32
      %add3A_399 = arith.constant 3 : i32
      %add3A_400 = arith.addi %mul3A_398, %add3A_399 : i32
      %dma_wait3A_401 = arith.constant 0 : i32
      %dma_wait3A_402 = tpu.memref_slice %arg4[%add3A_400, %dma_wait3A_401] : memref<80x128xi32, #tpu.memory_space<vmem>> -> memref<1x128xi32, #tpu.memory_space<vmem>>
      %dma_wait3A_403 = tpu.memref_squeeze %dma_wait3A_402 : memref<1x128xi32, #tpu.memory_space<vmem>> -> memref<128xi32, #tpu.memory_space<vmem>>
      %dma_wait3A_404 = arith.constant 0 : i32
      %dma_wait3A_405 = tpu.memref_slice %arg7[%dma_wait3A_404] : memref<10240xf32, #tpu.memory_space<vmem_shared>> -> memref<10240xf32, #tpu.memory_space<vmem_shared>>
      tpu.wait_indirect_dma semaphore(%arg8 : memref<!tpu.dma_semaphore, #tpu.memory_space<semaphore_mem>>) src(%arg5 : memref<128xf32, #tpu.memory_space<vmem>>) dst(%dma_wait3A_405 : memref<10240xf32, #tpu.memory_space<vmem_shared>>)
      %mul3A_406 = arith.constant 8 : i32
      %mul3A_407 = arith.muli %scan3A_299, %mul3A_406 : i32
      %add3A_408 = arith.constant 4 : i32
      %add3A_409 = arith.addi %mul3A_407, %add3A_408 : i32
      %dma_wait3A_410 = arith.constant 0 : i32
      %dma_wait3A_411 = tpu.memref_slice %arg4[%add3A_409, %dma_wait3A_410] : memref<80x128xi32, #tpu.memory_space<vmem>> -> memref<1x128xi32, #tpu.memory_space<vmem>>
      %dma_wait3A_412 = tpu.memref_squeeze %dma_wait3A_411 : memref<1x128xi32, #tpu.memory_space<vmem>> -> memref<128xi32, #tpu.memory_space<vmem>>
      %dma_wait3A_413 = arith.constant 0 : i32
      %dma_wait3A_414 = tpu.memref_slice %arg7[%dma_wait3A_413] : memref<10240xf32, #tpu.memory_space<vmem_shared>> -> memref<10240xf32, #tpu.memory_space<vmem_shared>>
      tpu.wait_indirect_dma semaphore(%arg8 : memref<!tpu.dma_semaphore, #tpu.memory_space<semaphore_mem>>) src(%arg5 : memref<128xf32, #tpu.memory_space<vmem>>) dst(%dma_wait3A_414 : memref<10240xf32, #tpu.memory_space<vmem_shared>>)
      %mul3A_415 = arith.constant 8 : i32
      %mul3A_416 = arith.muli %scan3A_299, %mul3A_415 : i32
      %add3A_417 = arith.constant 5 : i32
      %add3A_418 = arith.addi %mul3A_416, %add3A_417 : i32
      %dma_wait3A_419 = arith.constant 0 : i32
      %dma_wait3A_420 = tpu.memref_slice %arg4[%add3A_418, %dma_wait3A_419] : memref<80x128xi32, #tpu.memory_space<vmem>> -> memref<1x128xi32, #tpu.memory_space<vmem>>
      %dma_wait3A_421 = tpu.memref_squeeze %dma_wait3A_420 : memref<1x128xi32, #tpu.memory_space<vmem>> -> memref<128xi32, #tpu.memory_space<vmem>>
      %dma_wait3A_422 = arith.constant 0 : i32
      %dma_wait3A_423 = tpu.memref_slice %arg7[%dma_wait3A_422] : memref<10240xf32, #tpu.memory_space<vmem_shared>> -> memref<10240xf32, #tpu.memory_space<vmem_shared>>
      tpu.wait_indirect_dma semaphore(%arg8 : memref<!tpu.dma_semaphore, #tpu.memory_space<semaphore_mem>>) src(%arg5 : memref<128xf32, #tpu.memory_space<vmem>>) dst(%dma_wait3A_423 : memref<10240xf32, #tpu.memory_space<vmem_shared>>)
      %mul3A_424 = arith.constant 8 : i32
      %mul3A_425 = arith.muli %scan3A_299, %mul3A_424 : i32
      %add3A_426 = arith.constant 6 : i32
      %add3A_427 = arith.addi %mul3A_425, %add3A_426 : i32
      %dma_wait3A_428 = arith.constant 0 : i32
      %dma_wait3A_429 = tpu.memref_slice %arg4[%add3A_427, %dma_wait3A_428] : memref<80x128xi32, #tpu.memory_space<vmem>> -> memref<1x128xi32, #tpu.memory_space<vmem>>
      %dma_wait3A_430 = tpu.memref_squeeze %dma_wait3A_429 : memref<1x128xi32, #tpu.memory_space<vmem>> -> memref<128xi32, #tpu.memory_space<vmem>>
      %dma_wait3A_431 = arith.constant 0 : i32
      %dma_wait3A_432 = tpu.memref_slice %arg7[%dma_wait3A_431] : memref<10240xf32, #tpu.memory_space<vmem_shared>> -> memref<10240xf32, #tpu.memory_space<vmem_shared>>
      tpu.wait_indirect_dma semaphore(%arg8 : memref<!tpu.dma_semaphore, #tpu.memory_space<semaphore_mem>>) src(%arg5 : memref<128xf32, #tpu.memory_space<vmem>>) dst(%dma_wait3A_432 : memref<10240xf32, #tpu.memory_space<vmem_shared>>)
      %mul3A_433 = arith.constant 8 : i32
      %mul3A_434 = arith.muli %scan3A_299, %mul3A_433 : i32
      %add3A_435 = arith.constant 7 : i32
      %add3A_436 = arith.addi %mul3A_434, %add3A_435 : i32
      %dma_wait3A_437 = arith.constant 0 : i32
      %dma_wait3A_438 = tpu.memref_slice %arg4[%add3A_436, %dma_wait3A_437] : memref<80x128xi32, #tpu.memory_space<vmem>> -> memref<1x128xi32, #tpu.memory_space<vmem>>
      %dma_wait3A_439 = tpu.memref_squeeze %dma_wait3A_438 : memref<1x128xi32, #tpu.memory_space<vmem>> -> memref<128xi32, #tpu.memory_space<vmem>>
      %dma_wait3A_440 = arith.constant 0 : i32
      %dma_wait3A_441 = tpu.memref_slice %arg7[%dma_wait3A_440] : memref<10240xf32, #tpu.memory_space<vmem_shared>> -> memref<10240xf32, #tpu.memory_space<vmem_shared>>
      tpu.wait_indirect_dma semaphore(%arg8 : memref<!tpu.dma_semaphore, #tpu.memory_space<semaphore_mem>>) src(%arg5 : memref<128xf32, #tpu.memory_space<vmem>>) dst(%dma_wait3A_441 : memref<10240xf32, #tpu.memory_space<vmem_shared>>)
    }
    %scan3A_293 = arith.constant 10 : i32
    %barrier3A_294 = arith.constant 0 : index
    tpu.barrier barrier_id(%barrier3A_294)
    %mul3A_295 = arith.constant 640 : i32
    %mul3A_296 = arith.muli %arg1, %mul3A_295 : i32
    %mul3A_297 = arith.constant 640 : i32
    %mul3A_298 = arith.muli %arg1, %mul3A_297 : i32
    "tpu.region"() ({
      %run_scoped3A = tpu.sem_alloc : memref<!tpu.dma_semaphore, #tpu.memory_space<semaphore_mem>>
      %dma_start3A = tpu.memref_slice %arg3[%arg0, %mul3A_298] : memref<2x10240xf32, #tpu.memory_space<hbm>> -> memref<1x640xf32, #tpu.memory_space<hbm>>
      %dma_start3A_299 = tpu.memref_squeeze %dma_start3A : memref<1x640xf32, #tpu.memory_space<hbm>> -> memref<640xf32, #tpu.memory_space<hbm>>
      %dma_start3A_300 = tpu.memref_slice %arg7[%mul3A_296] : memref<10240xf32, #tpu.memory_space<vmem_shared>> -> memref<640xf32, #tpu.memory_space<vmem_shared>>
      tpu.enqueue_dma source(%dma_start3A_300 : memref<640xf32, #tpu.memory_space<vmem_shared>>) target(%dma_start3A_299 : memref<640xf32, #tpu.memory_space<hbm>>) target_semaphore(%run_scoped3A : memref<!tpu.dma_semaphore, #tpu.memory_space<semaphore_mem>>)
      %dma_wait3A = tpu.memref_slice %arg3[%arg0, %mul3A_298] : memref<2x10240xf32, #tpu.memory_space<hbm>> -> memref<1x640xf32, #tpu.memory_space<hbm>>
      %dma_wait3A_301 = tpu.memref_squeeze %dma_wait3A : memref<1x640xf32, #tpu.memory_space<hbm>> -> memref<640xf32, #tpu.memory_space<hbm>>
      %dma_wait3A_302 = tpu.memref_slice %arg7[%mul3A_296] : memref<10240xf32, #tpu.memory_space<vmem_shared>> -> memref<640xf32, #tpu.memory_space<vmem_shared>>
      tpu.wait_dma2 semaphore(%run_scoped3A : memref<!tpu.dma_semaphore, #tpu.memory_space<semaphore_mem>>) src(%dma_wait3A_302 : memref<640xf32, #tpu.memory_space<vmem_shared>>) dst(%dma_wait3A_301 : memref<640xf32, #tpu.memory_space<hbm>>)
      tpu.yield
    }) : () -> ()
    return
  }
}

#map = affine_map<(d0, d1) -> (0, 0, 0)>
#map1 = affine_map<(d0, d1) -> (0, 0)>
module attributes {stable_mosaic.version = 14 : i64} {
  func.func @_agg_kernel(%arg0: i32, %arg1: i32, %arg2: memref<32x80x128xi32, #tpu.memory_space<hbm>>, %arg3: memref<32x80x128xi32, #tpu.memory_space<hbm>>, %arg4: memref<10112x128xf32, #tpu.memory_space<hbm>>, %arg5: memref<10112x128xf32, #tpu.memory_space<hbm>>, %arg6: memref<2x10112x128xf32, #tpu.memory_space<hbm>>, %arg7: memref<80x128xi32, #tpu.memory_space<vmem>>, %arg8: memref<80x128xi32, #tpu.memory_space<vmem>>, %arg9: memref<2x64x128xf32, #tpu.memory_space<vmem>>, %arg10: memref<10112x128xf32, #tpu.memory_space<vmem_shared>>, %arg11: memref<!tpu.dma_semaphore, #tpu.memory_space<semaphore_mem>>, %arg12: memref<!tpu.dma_semaphore, #tpu.memory_space<semaphore_mem>>, %arg13: memref<!tpu.dma_semaphore, #tpu.memory_space<semaphore_mem>>, %arg14: memref<!tpu.dma_semaphore, #tpu.memory_space<semaphore_mem>>) attributes {dimension_semantics = [#tpu.dimension_semantics<core_parallel>, #tpu.dimension_semantics<subcore_parallel>], iteration_bounds = array<i64: 2, 16>, scalar_prefetch = 0 : i64, scratch_operands = 8 : i64, tpu.core_type = #tpu.core_type<sc_vector_subcore>, window_params = [{transform_indices = #map}, {transform_indices = #map}, {transform_indices = #map1}, {transform_indices = #map1}, {transform_indices = #map}]} {
    %mul3A = arith.constant 16 : i32
    %mul3A_0 = arith.muli %arg0, %mul3A : i32
    %add3A = arith.addi %mul3A_0, %arg1 : i32
    %mul3A_1 = arith.constant 632 : i32
    %mul3A_2 = arith.muli %arg1, %mul3A_1 : i32
    %mul3A_3 = arith.constant 632 : i32
    %mul3A_4 = arith.muli %arg1, %mul3A_3 : i32
    "tpu.region"() ({
      %run_scoped3A = tpu.sem_alloc : memref<!tpu.dma_semaphore, #tpu.memory_space<semaphore_mem>>
      %dma_start3A_37 = arith.constant 0 : i32
      %dma_start3A_38 = tpu.memref_slice %arg10[%mul3A_4, %dma_start3A_37] : memref<10112x128xf32, #tpu.memory_space<vmem_shared>> -> memref<632x128xf32, #tpu.memory_space<vmem_shared>>
      %dma_start3A_39 = arith.constant 0 : i32
      %dma_start3A_40 = tpu.memref_slice %arg5[%mul3A_2, %dma_start3A_39] : memref<10112x128xf32, #tpu.memory_space<hbm>> -> memref<632x128xf32, #tpu.memory_space<hbm>>
      tpu.enqueue_dma source(%dma_start3A_40 : memref<632x128xf32, #tpu.memory_space<hbm>>) target(%dma_start3A_38 : memref<632x128xf32, #tpu.memory_space<vmem_shared>>) target_semaphore(%run_scoped3A : memref<!tpu.dma_semaphore, #tpu.memory_space<semaphore_mem>>)
      %dma_wait3A_41 = arith.constant 0 : i32
      %dma_wait3A_42 = tpu.memref_slice %arg10[%mul3A_4, %dma_wait3A_41] : memref<10112x128xf32, #tpu.memory_space<vmem_shared>> -> memref<632x128xf32, #tpu.memory_space<vmem_shared>>
      %dma_wait3A_43 = arith.constant 0 : i32
      %dma_wait3A_44 = tpu.memref_slice %arg5[%mul3A_2, %dma_wait3A_43] : memref<10112x128xf32, #tpu.memory_space<hbm>> -> memref<632x128xf32, #tpu.memory_space<hbm>>
      tpu.wait_dma2 semaphore(%run_scoped3A : memref<!tpu.dma_semaphore, #tpu.memory_space<semaphore_mem>>) src(%dma_wait3A_44 : memref<632x128xf32, #tpu.memory_space<hbm>>) dst(%dma_wait3A_42 : memref<632x128xf32, #tpu.memory_space<vmem_shared>>)
      tpu.yield
    }) : () -> ()
    "tpu.region"() ({
      %run_scoped3A = tpu.sem_alloc : memref<!tpu.dma_semaphore, #tpu.memory_space<semaphore_mem>>
      %dma_start3A_37 = arith.constant 0 : i32
      %dma_start3A_38 = arith.constant 0 : i32
      %dma_start3A_39 = tpu.memref_slice %arg2[%add3A, %dma_start3A_37, %dma_start3A_38] : memref<32x80x128xi32, #tpu.memory_space<hbm>> -> memref<1x80x128xi32, #tpu.memory_space<hbm>>
      %dma_start3A_40 = tpu.memref_squeeze %dma_start3A_39 : memref<1x80x128xi32, #tpu.memory_space<hbm>> -> memref<80x128xi32, #tpu.memory_space<hbm>>
      %dma_start3A_41 = arith.constant 0 : i32
      %dma_start3A_42 = arith.constant 0 : i32
      %dma_start3A_43 = tpu.memref_slice %arg2[%add3A, %dma_start3A_41, %dma_start3A_42] : memref<32x80x128xi32, #tpu.memory_space<hbm>> -> memref<1x80x128xi32, #tpu.memory_space<hbm>>
      %dma_start3A_44 = tpu.memref_squeeze %dma_start3A_43 : memref<1x80x128xi32, #tpu.memory_space<hbm>> -> memref<80x128xi32, #tpu.memory_space<hbm>>
      tpu.enqueue_dma source(%dma_start3A_44 : memref<80x128xi32, #tpu.memory_space<hbm>>) target(%arg7 : memref<80x128xi32, #tpu.memory_space<vmem>>) target_semaphore(%run_scoped3A : memref<!tpu.dma_semaphore, #tpu.memory_space<semaphore_mem>>)
      %dma_wait3A_45 = arith.constant 0 : i32
      %dma_wait3A_46 = arith.constant 0 : i32
      %dma_wait3A_47 = tpu.memref_slice %arg2[%add3A, %dma_wait3A_45, %dma_wait3A_46] : memref<32x80x128xi32, #tpu.memory_space<hbm>> -> memref<1x80x128xi32, #tpu.memory_space<hbm>>
      %dma_wait3A_48 = tpu.memref_squeeze %dma_wait3A_47 : memref<1x80x128xi32, #tpu.memory_space<hbm>> -> memref<80x128xi32, #tpu.memory_space<hbm>>
      %dma_wait3A_49 = arith.constant 0 : i32
      %dma_wait3A_50 = arith.constant 0 : i32
      %dma_wait3A_51 = tpu.memref_slice %arg2[%add3A, %dma_wait3A_49, %dma_wait3A_50] : memref<32x80x128xi32, #tpu.memory_space<hbm>> -> memref<1x80x128xi32, #tpu.memory_space<hbm>>
      %dma_wait3A_52 = tpu.memref_squeeze %dma_wait3A_51 : memref<1x80x128xi32, #tpu.memory_space<hbm>> -> memref<80x128xi32, #tpu.memory_space<hbm>>
      tpu.wait_dma2 semaphore(%run_scoped3A : memref<!tpu.dma_semaphore, #tpu.memory_space<semaphore_mem>>) src(%dma_wait3A_52 : memref<80x128xi32, #tpu.memory_space<hbm>>) dst(%arg7 : memref<80x128xi32, #tpu.memory_space<vmem>>)
      tpu.yield
    }) : () -> ()
    "tpu.region"() ({
      %run_scoped3A = tpu.sem_alloc : memref<!tpu.dma_semaphore, #tpu.memory_space<semaphore_mem>>
      %dma_start3A_37 = arith.constant 0 : i32
      %dma_start3A_38 = arith.constant 0 : i32
      %dma_start3A_39 = tpu.memref_slice %arg3[%add3A, %dma_start3A_37, %dma_start3A_38] : memref<32x80x128xi32, #tpu.memory_space<hbm>> -> memref<1x80x128xi32, #tpu.memory_space<hbm>>
      %dma_start3A_40 = tpu.memref_squeeze %dma_start3A_39 : memref<1x80x128xi32, #tpu.memory_space<hbm>> -> memref<80x128xi32, #tpu.memory_space<hbm>>
      %dma_start3A_41 = arith.constant 0 : i32
      %dma_start3A_42 = arith.constant 0 : i32
      %dma_start3A_43 = tpu.memref_slice %arg3[%add3A, %dma_start3A_41, %dma_start3A_42] : memref<32x80x128xi32, #tpu.memory_space<hbm>> -> memref<1x80x128xi32, #tpu.memory_space<hbm>>
      %dma_start3A_44 = tpu.memref_squeeze %dma_start3A_43 : memref<1x80x128xi32, #tpu.memory_space<hbm>> -> memref<80x128xi32, #tpu.memory_space<hbm>>
      tpu.enqueue_dma source(%dma_start3A_44 : memref<80x128xi32, #tpu.memory_space<hbm>>) target(%arg8 : memref<80x128xi32, #tpu.memory_space<vmem>>) target_semaphore(%run_scoped3A : memref<!tpu.dma_semaphore, #tpu.memory_space<semaphore_mem>>)
      %dma_wait3A_45 = arith.constant 0 : i32
      %dma_wait3A_46 = arith.constant 0 : i32
      %dma_wait3A_47 = tpu.memref_slice %arg3[%add3A, %dma_wait3A_45, %dma_wait3A_46] : memref<32x80x128xi32, #tpu.memory_space<hbm>> -> memref<1x80x128xi32, #tpu.memory_space<hbm>>
      %dma_wait3A_48 = tpu.memref_squeeze %dma_wait3A_47 : memref<1x80x128xi32, #tpu.memory_space<hbm>> -> memref<80x128xi32, #tpu.memory_space<hbm>>
      %dma_wait3A_49 = arith.constant 0 : i32
      %dma_wait3A_50 = arith.constant 0 : i32
      %dma_wait3A_51 = tpu.memref_slice %arg3[%add3A, %dma_wait3A_49, %dma_wait3A_50] : memref<32x80x128xi32, #tpu.memory_space<hbm>> -> memref<1x80x128xi32, #tpu.memory_space<hbm>>
      %dma_wait3A_52 = tpu.memref_squeeze %dma_wait3A_51 : memref<1x80x128xi32, #tpu.memory_space<hbm>> -> memref<80x128xi32, #tpu.memory_space<hbm>>
      tpu.wait_dma2 semaphore(%run_scoped3A : memref<!tpu.dma_semaphore, #tpu.memory_space<semaphore_mem>>) src(%dma_wait3A_52 : memref<80x128xi32, #tpu.memory_space<hbm>>) dst(%arg8 : memref<80x128xi32, #tpu.memory_space<vmem>>)
      tpu.yield
    }) : () -> ()
    %barrier3A = arith.constant 0 : index
    tpu.barrier barrier_id(%barrier3A)
    %dma_start3A = arith.constant 0 : i32
    %dma_start3A_5 = arith.constant 0 : i32
    %dma_start3A_6 = arith.constant 0 : i32
    %dma_start3A_7 = arith.constant 0 : i32
    %dma_start3A_8 = tpu.memref_slice %arg9[%dma_start3A_5, %dma_start3A_6, %dma_start3A_7] : memref<2x64x128xf32, #tpu.memory_space<vmem>> -> memref<1x64x128xf32, #tpu.memory_space<vmem>>
    %dma_start3A_9 = tpu.memref_squeeze %dma_start3A_8 : memref<1x64x128xf32, #tpu.memory_space<vmem>> -> memref<64x128xf32, #tpu.memory_space<vmem>>
    %dma_start3A_10 = arith.constant 0 : i32
    %dma_start3A_11 = tpu.memref_slice %arg7[%dma_start3A, %dma_start3A_10] : memref<80x128xi32, #tpu.memory_space<vmem>> -> memref<1x64xi32, #tpu.memory_space<vmem>>
    %dma_start3A_12 = tpu.memref_squeeze %dma_start3A_11 : memref<1x64xi32, #tpu.memory_space<vmem>> -> memref<64xi32, #tpu.memory_space<vmem>>
    %dma_start3A_13 = arith.constant 0 : i32
    %dma_start3A_14 = arith.constant 0 : i32
    %dma_start3A_15 = tpu.memref_slice %arg4[%dma_start3A_13, %dma_start3A_14] : memref<10112x128xf32, #tpu.memory_space<hbm>> -> memref<10112x128xf32, #tpu.memory_space<hbm>>
    tpu.enqueue_indirect_dma source(%dma_start3A_15 : memref<10112x128xf32, #tpu.memory_space<hbm>>) target(%dma_start3A_9 : memref<64x128xf32, #tpu.memory_space<vmem>>) offsets(%dma_start3A_12 : memref<64xi32, #tpu.memory_space<vmem>>) semaphore(%arg11 : memref<!tpu.dma_semaphore, #tpu.memory_space<semaphore_mem>>)
    %scan3A = arith.constant 0 : i32
    %scan3A_16 = arith.constant 0 : i32
    %scan3A_17 = arith.constant 80 : i32
    %scan3A_18 = arith.addi %scan3A_16, %scan3A_17 : i32
    %scan3A_19 = arith.constant 1 : i32
    scf.for %scan3A_37 = %scan3A_16 to %scan3A_18 step %scan3A_19  : i32 {
      %dma_wait3A_38 = arith.constant 0 : i32
      %dma_wait3A_39 = arith.constant 0 : i32
      %dma_wait3A_40 = arith.constant 0 : i32
      %dma_wait3A_41 = tpu.memref_slice %arg9[%dma_wait3A_38, %dma_wait3A_39, %dma_wait3A_40] : memref<2x64x128xf32, #tpu.memory_space<vmem>> -> memref<1x64x128xf32, #tpu.memory_space<vmem>>
      %dma_wait3A_42 = tpu.memref_squeeze %dma_wait3A_41 : memref<1x64x128xf32, #tpu.memory_space<vmem>> -> memref<64x128xf32, #tpu.memory_space<vmem>>
      %dma_wait3A_43 = arith.constant 0 : i32
      %dma_wait3A_44 = tpu.memref_slice %arg7[%scan3A_37, %dma_wait3A_43] : memref<80x128xi32, #tpu.memory_space<vmem>> -> memref<1x64xi32, #tpu.memory_space<vmem>>
      %dma_wait3A_45 = tpu.memref_squeeze %dma_wait3A_44 : memref<1x64xi32, #tpu.memory_space<vmem>> -> memref<64xi32, #tpu.memory_space<vmem>>
      %dma_wait3A_46 = arith.constant 0 : i32
      %dma_wait3A_47 = arith.constant 0 : i32
      %dma_wait3A_48 = tpu.memref_slice %arg4[%dma_wait3A_46, %dma_wait3A_47] : memref<10112x128xf32, #tpu.memory_space<hbm>> -> memref<10112x128xf32, #tpu.memory_space<hbm>>
      tpu.wait_indirect_dma semaphore(%arg11 : memref<!tpu.dma_semaphore, #tpu.memory_space<semaphore_mem>>) src(%dma_wait3A_48 : memref<10112x128xf32, #tpu.memory_space<hbm>>) dst(%dma_wait3A_42 : memref<64x128xf32, #tpu.memory_space<vmem>>)
      %dma_start3A_49 = arith.constant 0 : i32
      %dma_start3A_50 = arith.constant 0 : i32
      %dma_start3A_51 = arith.constant 0 : i32
      %dma_start3A_52 = tpu.memref_slice %arg9[%dma_start3A_49, %dma_start3A_50, %dma_start3A_51] : memref<2x64x128xf32, #tpu.memory_space<vmem>> -> memref<1x64x128xf32, #tpu.memory_space<vmem>>
      %dma_start3A_53 = tpu.memref_squeeze %dma_start3A_52 : memref<1x64x128xf32, #tpu.memory_space<vmem>> -> memref<64x128xf32, #tpu.memory_space<vmem>>
      %dma_start3A_54 = arith.constant 0 : i32
      %dma_start3A_55 = tpu.memref_slice %arg8[%scan3A_37, %dma_start3A_54] : memref<80x128xi32, #tpu.memory_space<vmem>> -> memref<1x64xi32, #tpu.memory_space<vmem>>
      %dma_start3A_56 = tpu.memref_squeeze %dma_start3A_55 : memref<1x64xi32, #tpu.memory_space<vmem>> -> memref<64xi32, #tpu.memory_space<vmem>>
      %dma_start3A_57 = arith.constant 0 : i32
      %dma_start3A_58 = arith.constant 0 : i32
      %dma_start3A_59 = tpu.memref_slice %arg10[%dma_start3A_57, %dma_start3A_58] : memref<10112x128xf32, #tpu.memory_space<vmem_shared>> -> memref<10112x128xf32, #tpu.memory_space<vmem_shared>>
      tpu.enqueue_indirect_dma source(%dma_start3A_53 : memref<64x128xf32, #tpu.memory_space<vmem>>) target(%dma_start3A_59 : memref<10112x128xf32, #tpu.memory_space<vmem_shared>>) offsets(%dma_start3A_56 : memref<64xi32, #tpu.memory_space<vmem>>) semaphore(%arg13 : memref<!tpu.dma_semaphore, #tpu.memory_space<semaphore_mem>>) {add = true}
      %ge3A = arith.constant 1 : i32
      %ge3A_60 = arith.cmpi sge, %scan3A_37, %ge3A : i32
      %convert_element_type3A = arith.extui %ge3A_60 : i1 to i32
      %cond3A = arith.constant 0 : i32
      %cond3A_61 = arith.cmpi ne, %convert_element_type3A, %cond3A : i32
      scf.if %cond3A_61 {
        %sub3A = arith.constant 1 : i32
        %sub3A_112 = arith.subi %scan3A_37, %sub3A : i32
        %dma_wait3A_113 = arith.constant 1 : i32
        %dma_wait3A_114 = arith.constant 0 : i32
        %dma_wait3A_115 = arith.constant 0 : i32
        %dma_wait3A_116 = tpu.memref_slice %arg9[%dma_wait3A_113, %dma_wait3A_114, %dma_wait3A_115] : memref<2x64x128xf32, #tpu.memory_space<vmem>> -> memref<1x64x128xf32, #tpu.memory_space<vmem>>
        %dma_wait3A_117 = tpu.memref_squeeze %dma_wait3A_116 : memref<1x64x128xf32, #tpu.memory_space<vmem>> -> memref<64x128xf32, #tpu.memory_space<vmem>>
        %dma_wait3A_118 = arith.constant 64 : i32
        %dma_wait3A_119 = tpu.memref_slice %arg8[%sub3A_112, %dma_wait3A_118] : memref<80x128xi32, #tpu.memory_space<vmem>> -> memref<1x64xi32, #tpu.memory_space<vmem>>
        %dma_wait3A_120 = tpu.memref_squeeze %dma_wait3A_119 : memref<1x64xi32, #tpu.memory_space<vmem>> -> memref<64xi32, #tpu.memory_space<vmem>>
        %dma_wait3A_121 = arith.constant 0 : i32
        %dma_wait3A_122 = arith.constant 0 : i32
        %dma_wait3A_123 = tpu.memref_slice %arg10[%dma_wait3A_121, %dma_wait3A_122] : memref<10112x128xf32, #tpu.memory_space<vmem_shared>> -> memref<10112x128xf32, #tpu.memory_space<vmem_shared>>
        tpu.wait_indirect_dma semaphore(%arg14 : memref<!tpu.dma_semaphore, #tpu.memory_space<semaphore_mem>>) src(%dma_wait3A_117 : memref<64x128xf32, #tpu.memory_space<vmem>>) dst(%dma_wait3A_123 : memref<10112x128xf32, #tpu.memory_space<vmem_shared>>)
      } else {
      }
      %dma_start3A_62 = arith.constant 1 : i32
      %dma_start3A_63 = arith.constant 0 : i32
      %dma_start3A_64 = arith.constant 0 : i32
      %dma_start3A_65 = tpu.memref_slice %arg9[%dma_start3A_62, %dma_start3A_63, %dma_start3A_64] : memref<2x64x128xf32, #tpu.memory_space<vmem>> -> memref<1x64x128xf32, #tpu.memory_space<vmem>>
      %dma_start3A_66 = tpu.memref_squeeze %dma_start3A_65 : memref<1x64x128xf32, #tpu.memory_space<vmem>> -> memref<64x128xf32, #tpu.memory_space<vmem>>
      %dma_start3A_67 = arith.constant 64 : i32
      %dma_start3A_68 = tpu.memref_slice %arg7[%scan3A_37, %dma_start3A_67] : memref<80x128xi32, #tpu.memory_space<vmem>> -> memref<1x64xi32, #tpu.memory_space<vmem>>
      %dma_start3A_69 = tpu.memref_squeeze %dma_start3A_68 : memref<1x64xi32, #tpu.memory_space<vmem>> -> memref<64xi32, #tpu.memory_space<vmem>>
      %dma_start3A_70 = arith.constant 0 : i32
      %dma_start3A_71 = arith.constant 0 : i32
      %dma_start3A_72 = tpu.memref_slice %arg4[%dma_start3A_70, %dma_start3A_71] : memref<10112x128xf32, #tpu.memory_space<hbm>> -> memref<10112x128xf32, #tpu.memory_space<hbm>>
      tpu.enqueue_indirect_dma source(%dma_start3A_72 : memref<10112x128xf32, #tpu.memory_space<hbm>>) target(%dma_start3A_66 : memref<64x128xf32, #tpu.memory_space<vmem>>) offsets(%dma_start3A_69 : memref<64xi32, #tpu.memory_space<vmem>>) semaphore(%arg12 : memref<!tpu.dma_semaphore, #tpu.memory_space<semaphore_mem>>)
      %dma_wait3A_73 = arith.constant 1 : i32
      %dma_wait3A_74 = arith.constant 0 : i32
      %dma_wait3A_75 = arith.constant 0 : i32
      %dma_wait3A_76 = tpu.memref_slice %arg9[%dma_wait3A_73, %dma_wait3A_74, %dma_wait3A_75] : memref<2x64x128xf32, #tpu.memory_space<vmem>> -> memref<1x64x128xf32, #tpu.memory_space<vmem>>
      %dma_wait3A_77 = tpu.memref_squeeze %dma_wait3A_76 : memref<1x64x128xf32, #tpu.memory_space<vmem>> -> memref<64x128xf32, #tpu.memory_space<vmem>>
      %dma_wait3A_78 = arith.constant 64 : i32
      %dma_wait3A_79 = tpu.memref_slice %arg7[%scan3A_37, %dma_wait3A_78] : memref<80x128xi32, #tpu.memory_space<vmem>> -> memref<1x64xi32, #tpu.memory_space<vmem>>
      %dma_wait3A_80 = tpu.memref_squeeze %dma_wait3A_79 : memref<1x64xi32, #tpu.memory_space<vmem>> -> memref<64xi32, #tpu.memory_space<vmem>>
      %dma_wait3A_81 = arith.constant 0 : i32
      %dma_wait3A_82 = arith.constant 0 : i32
      %dma_wait3A_83 = tpu.memref_slice %arg4[%dma_wait3A_81, %dma_wait3A_82] : memref<10112x128xf32, #tpu.memory_space<hbm>> -> memref<10112x128xf32, #tpu.memory_space<hbm>>
      tpu.wait_indirect_dma semaphore(%arg12 : memref<!tpu.dma_semaphore, #tpu.memory_space<semaphore_mem>>) src(%dma_wait3A_83 : memref<10112x128xf32, #tpu.memory_space<hbm>>) dst(%dma_wait3A_77 : memref<64x128xf32, #tpu.memory_space<vmem>>)
      %dma_start3A_84 = arith.constant 1 : i32
      %dma_start3A_85 = arith.constant 0 : i32
      %dma_start3A_86 = arith.constant 0 : i32
      %dma_start3A_87 = tpu.memref_slice %arg9[%dma_start3A_84, %dma_start3A_85, %dma_start3A_86] : memref<2x64x128xf32, #tpu.memory_space<vmem>> -> memref<1x64x128xf32, #tpu.memory_space<vmem>>
      %dma_start3A_88 = tpu.memref_squeeze %dma_start3A_87 : memref<1x64x128xf32, #tpu.memory_space<vmem>> -> memref<64x128xf32, #tpu.memory_space<vmem>>
      %dma_start3A_89 = arith.constant 64 : i32
      %dma_start3A_90 = tpu.memref_slice %arg8[%scan3A_37, %dma_start3A_89] : memref<80x128xi32, #tpu.memory_space<vmem>> -> memref<1x64xi32, #tpu.memory_space<vmem>>
      %dma_start3A_91 = tpu.memref_squeeze %dma_start3A_90 : memref<1x64xi32, #tpu.memory_space<vmem>> -> memref<64xi32, #tpu.memory_space<vmem>>
      %dma_start3A_92 = arith.constant 0 : i32
      %dma_start3A_93 = arith.constant 0 : i32
      %dma_start3A_94 = tpu.memref_slice %arg10[%dma_start3A_92, %dma_start3A_93] : memref<10112x128xf32, #tpu.memory_space<vmem_shared>> -> memref<10112x128xf32, #tpu.memory_space<vmem_shared>>
      tpu.enqueue_indirect_dma source(%dma_start3A_88 : memref<64x128xf32, #tpu.memory_space<vmem>>) target(%dma_start3A_94 : memref<10112x128xf32, #tpu.memory_space<vmem_shared>>) offsets(%dma_start3A_91 : memref<64xi32, #tpu.memory_space<vmem>>) semaphore(%arg14 : memref<!tpu.dma_semaphore, #tpu.memory_space<semaphore_mem>>) {add = true}
      %dma_wait3A_95 = arith.constant 0 : i32
      %dma_wait3A_96 = arith.constant 0 : i32
      %dma_wait3A_97 = arith.constant 0 : i32
      %dma_wait3A_98 = tpu.memref_slice %arg9[%dma_wait3A_95, %dma_wait3A_96, %dma_wait3A_97] : memref<2x64x128xf32, #tpu.memory_space<vmem>> -> memref<1x64x128xf32, #tpu.memory_space<vmem>>
      %dma_wait3A_99 = tpu.memref_squeeze %dma_wait3A_98 : memref<1x64x128xf32, #tpu.memory_space<vmem>> -> memref<64x128xf32, #tpu.memory_space<vmem>>
      %dma_wait3A_100 = arith.constant 0 : i32
      %dma_wait3A_101 = tpu.memref_slice %arg8[%scan3A_37, %dma_wait3A_100] : memref<80x128xi32, #tpu.memory_space<vmem>> -> memref<1x64xi32, #tpu.memory_space<vmem>>
      %dma_wait3A_102 = tpu.memref_squeeze %dma_wait3A_101 : memref<1x64xi32, #tpu.memory_space<vmem>> -> memref<64xi32, #tpu.memory_space<vmem>>
      %dma_wait3A_103 = arith.constant 0 : i32
      %dma_wait3A_104 = arith.constant 0 : i32
      %dma_wait3A_105 = tpu.memref_slice %arg10[%dma_wait3A_103, %dma_wait3A_104] : memref<10112x128xf32, #tpu.memory_space<vmem_shared>> -> memref<10112x128xf32, #tpu.memory_space<vmem_shared>>
      tpu.wait_indirect_dma semaphore(%arg13 : memref<!tpu.dma_semaphore, #tpu.memory_space<semaphore_mem>>) src(%dma_wait3A_99 : memref<64x128xf32, #tpu.memory_space<vmem>>) dst(%dma_wait3A_105 : memref<10112x128xf32, #tpu.memory_space<vmem_shared>>)
      %add3A_106 = arith.constant 1 : i32
      %add3A_107 = arith.addi %scan3A_37, %add3A_106 : i32
      %lt3A = arith.constant 80 : i32
      %lt3A_108 = arith.cmpi slt, %add3A_107, %lt3A : i32
      %convert_element_type3A_109 = arith.extui %lt3A_108 : i1 to i32
      %cond3A_110 = arith.constant 0 : i32
      %cond3A_111 = arith.cmpi ne, %convert_element_type3A_109, %cond3A_110 : i32
      scf.if %cond3A_111 {
        %add3A_112 = arith.constant 1 : i32
        %add3A_113 = arith.addi %scan3A_37, %add3A_112 : i32
        %dma_start3A_114 = arith.constant 0 : i32
        %dma_start3A_115 = arith.constant 0 : i32
        %dma_start3A_116 = arith.constant 0 : i32
        %dma_start3A_117 = tpu.memref_slice %arg9[%dma_start3A_114, %dma_start3A_115, %dma_start3A_116] : memref<2x64x128xf32, #tpu.memory_space<vmem>> -> memref<1x64x128xf32, #tpu.memory_space<vmem>>
        %dma_start3A_118 = tpu.memref_squeeze %dma_start3A_117 : memref<1x64x128xf32, #tpu.memory_space<vmem>> -> memref<64x128xf32, #tpu.memory_space<vmem>>
        %dma_start3A_119 = arith.constant 0 : i32
        %dma_start3A_120 = tpu.memref_slice %arg7[%add3A_113, %dma_start3A_119] : memref<80x128xi32, #tpu.memory_space<vmem>> -> memref<1x64xi32, #tpu.memory_space<vmem>>
        %dma_start3A_121 = tpu.memref_squeeze %dma_start3A_120 : memref<1x64xi32, #tpu.memory_space<vmem>> -> memref<64xi32, #tpu.memory_space<vmem>>
        %dma_start3A_122 = arith.constant 0 : i32
        %dma_start3A_123 = arith.constant 0 : i32
        %dma_start3A_124 = tpu.memref_slice %arg4[%dma_start3A_122, %dma_start3A_123] : memref<10112x128xf32, #tpu.memory_space<hbm>> -> memref<10112x128xf32, #tpu.memory_space<hbm>>
        tpu.enqueue_indirect_dma source(%dma_start3A_124 : memref<10112x128xf32, #tpu.memory_space<hbm>>) target(%dma_start3A_118 : memref<64x128xf32, #tpu.memory_space<vmem>>) offsets(%dma_start3A_121 : memref<64xi32, #tpu.memory_space<vmem>>) semaphore(%arg11 : memref<!tpu.dma_semaphore, #tpu.memory_space<semaphore_mem>>)
      } else {
      }
    }
    %scan3A_20 = arith.constant 80 : i32
    %dma_wait3A = arith.constant 1 : i32
    %dma_wait3A_21 = arith.constant 79 : i32
    %dma_wait3A_22 = arith.constant 0 : i32
    %dma_wait3A_23 = arith.constant 0 : i32
    %dma_wait3A_24 = tpu.memref_slice %arg9[%dma_wait3A, %dma_wait3A_22, %dma_wait3A_23] : memref<2x64x128xf32, #tpu.memory_space<vmem>> -> memref<1x64x128xf32, #tpu.memory_space<vmem>>
    %dma_wait3A_25 = tpu.memref_squeeze %dma_wait3A_24 : memref<1x64x128xf32, #tpu.memory_space<vmem>> -> memref<64x128xf32, #tpu.memory_space<vmem>>
    %dma_wait3A_26 = arith.constant 64 : i32
    %dma_wait3A_27 = tpu.memref_slice %arg8[%dma_wait3A_21, %dma_wait3A_26] : memref<80x128xi32, #tpu.memory_space<vmem>> -> memref<1x64xi32, #tpu.memory_space<vmem>>
    %dma_wait3A_28 = tpu.memref_squeeze %dma_wait3A_27 : memref<1x64xi32, #tpu.memory_space<vmem>> -> memref<64xi32, #tpu.memory_space<vmem>>
    %dma_wait3A_29 = arith.constant 0 : i32
    %dma_wait3A_30 = arith.constant 0 : i32
    %dma_wait3A_31 = tpu.memref_slice %arg10[%dma_wait3A_29, %dma_wait3A_30] : memref<10112x128xf32, #tpu.memory_space<vmem_shared>> -> memref<10112x128xf32, #tpu.memory_space<vmem_shared>>
    tpu.wait_indirect_dma semaphore(%arg14 : memref<!tpu.dma_semaphore, #tpu.memory_space<semaphore_mem>>) src(%dma_wait3A_25 : memref<64x128xf32, #tpu.memory_space<vmem>>) dst(%dma_wait3A_31 : memref<10112x128xf32, #tpu.memory_space<vmem_shared>>)
    %barrier3A_32 = arith.constant 0 : index
    tpu.barrier barrier_id(%barrier3A_32)
    %mul3A_33 = arith.constant 632 : i32
    %mul3A_34 = arith.muli %arg1, %mul3A_33 : i32
    %mul3A_35 = arith.constant 632 : i32
    %mul3A_36 = arith.muli %arg1, %mul3A_35 : i32
    "tpu.region"() ({
      %run_scoped3A = tpu.sem_alloc : memref<!tpu.dma_semaphore, #tpu.memory_space<semaphore_mem>>
      %dma_start3A_37 = arith.constant 0 : i32
      %dma_start3A_38 = tpu.memref_slice %arg6[%arg0, %mul3A_36, %dma_start3A_37] : memref<2x10112x128xf32, #tpu.memory_space<hbm>> -> memref<1x632x128xf32, #tpu.memory_space<hbm>>
      %dma_start3A_39 = tpu.memref_squeeze %dma_start3A_38 : memref<1x632x128xf32, #tpu.memory_space<hbm>> -> memref<632x128xf32, #tpu.memory_space<hbm>>
      %dma_start3A_40 = arith.constant 0 : i32
      %dma_start3A_41 = tpu.memref_slice %arg10[%mul3A_34, %dma_start3A_40] : memref<10112x128xf32, #tpu.memory_space<vmem_shared>> -> memref<632x128xf32, #tpu.memory_space<vmem_shared>>
      tpu.enqueue_dma source(%dma_start3A_41 : memref<632x128xf32, #tpu.memory_space<vmem_shared>>) target(%dma_start3A_39 : memref<632x128xf32, #tpu.memory_space<hbm>>) target_semaphore(%run_scoped3A : memref<!tpu.dma_semaphore, #tpu.memory_space<semaphore_mem>>)
      %dma_wait3A_42 = arith.constant 0 : i32
      %dma_wait3A_43 = tpu.memref_slice %arg6[%arg0, %mul3A_36, %dma_wait3A_42] : memref<2x10112x128xf32, #tpu.memory_space<hbm>> -> memref<1x632x128xf32, #tpu.memory_space<hbm>>
      %dma_wait3A_44 = tpu.memref_squeeze %dma_wait3A_43 : memref<1x632x128xf32, #tpu.memory_space<hbm>> -> memref<632x128xf32, #tpu.memory_space<hbm>>
      %dma_wait3A_45 = arith.constant 0 : i32
      %dma_wait3A_46 = tpu.memref_slice %arg10[%mul3A_34, %dma_wait3A_45] : memref<10112x128xf32, #tpu.memory_space<vmem_shared>> -> memref<632x128xf32, #tpu.memory_space<vmem_shared>>
      tpu.wait_dma2 semaphore(%run_scoped3A : memref<!tpu.dma_semaphore, #tpu.memory_space<semaphore_mem>>) src(%dma_wait3A_46 : memref<632x128xf32, #tpu.memory_space<vmem_shared>>) dst(%dma_wait3A_44 : memref<632x128xf32, #tpu.memory_space<hbm>>)
      tpu.yield
    }) : () -> ()
    return
  }
}

module attributes {stable_mosaic.version = 14 : i64} {
  func.func @_transform_body(%arg0: memref<10000x128xf32, #tpu.memory_space<vmem>>, %arg1: memref<128x128xf32, #tpu.memory_space<vmem>>, %arg2: memref<2x10240xf32, #tpu.memory_space<vmem>>, %arg3: memref<10000x128xf32, #tpu.memory_space<vmem>>, %arg4: memref<10112x128xf32, #tpu.memory_space<vmem>>) attributes {dimension_semantics = [], scalar_prefetch = 0 : i64, scratch_operands = 0 : i64, tpu.core_type = #tpu.core_type<tc>} {
    %get3A = arith.constant 0 : index
    %get3A_0 = arith.constant 0 : index
    %get3A_1 = vector.load %arg0[%get3A, %get3A_0] : memref<10000x128xf32, #tpu.memory_space<vmem>>, vector<10000x128xf32>
    %get3A_2 = arith.constant 0 : index
    %get3A_3 = arith.constant 0 : index
    %get3A_4 = vector.load %arg1[%get3A_2, %get3A_3] : memref<128x128xf32, #tpu.memory_space<vmem>>, vector<128x128xf32>
    %dot_general3A = arith.constant dense<0.000000e+00> : vector<10000x128xf32>
    %dot_general3A_5 = tpu.matmul %get3A_1, %get3A_4, %dot_general3A {dimension_numbers = #tpu.dot_dimension_numbers<[1], [0], [0], [1], [0, 0, 1, 1], [], []>, transpose_lhs_hint = false} : vector<10000x128xf32>, vector<128x128xf32>, vector<10000x128xf32> -> vector<10000x128xf32>
    %get3A_6 = arith.constant 0 : index
    %get3A_7 = arith.constant 0 : index
    %get3A_8 = vector.load %arg2[%get3A_6, %get3A_7] : memref<2x10240xf32, #tpu.memory_space<vmem>>, vector<1x10000xf32>
    %get3A_9 = vector.shape_cast %get3A_8 : vector<1x10000xf32> to vector<10000xf32>
    %get3A_10 = arith.constant 1 : index
    %get3A_11 = arith.constant 0 : index
    %get3A_12 = vector.load %arg2[%get3A_10, %get3A_11] : memref<2x10240xf32, #tpu.memory_space<vmem>>, vector<1x10000xf32>
    %get3A_13 = vector.shape_cast %get3A_12 : vector<1x10000xf32> to vector<10000xf32>
    %add3A = arith.addf %get3A_9, %get3A_13 : vector<10000xf32>
    %add3A_14 = arith.constant 1.000000e+00 : f32
    %add3A_15 = vector.broadcast %add3A_14 : f32 to vector<10000xf32>
    %add3A_16 = arith.addf %add3A, %add3A_15 : vector<10000xf32>
    %rsqrt3A = math.rsqrt %add3A_16 : vector<10000xf32>
    %broadcast_in_dim3A = vector.shape_cast %rsqrt3A : vector<10000xf32> to vector<10000x1xf32>
    %mul3A = vector.broadcast %broadcast_in_dim3A : vector<10000x1xf32> to vector<10000x128xf32>
    %mul3A_17 = arith.mulf %dot_general3A_5, %mul3A : vector<10000x128xf32>
    %swap3A = arith.constant 0 : index
    %swap3A_18 = arith.constant 0 : index
    %swap3A_19 = vector.load %arg3[%swap3A, %swap3A_18] : memref<10000x128xf32, #tpu.memory_space<vmem>>, vector<10000x128xf32>
    tpu.vector_store %arg3[%swap3A, %swap3A_18], %mul3A_17 {strides = array<i32>} : memref<10000x128xf32, #tpu.memory_space<vmem>>, vector<10000x128xf32>,
    %swap3A_20 = arith.constant 0 : index
    %swap3A_21 = arith.constant 0 : index
    %swap3A_22 = vector.load %arg4[%swap3A_20, %swap3A_21] : memref<10112x128xf32, #tpu.memory_space<vmem>>, vector<10000x128xf32>
    tpu.vector_store %arg4[%swap3A_20, %swap3A_21], %mul3A_17 {strides = array<i32>} : memref<10112x128xf32, #tpu.memory_space<vmem>>, vector<10000x128xf32>,
    %broadcast_in_dim3A_23 = arith.constant 0.000000e+00 : f32
    %broadcast_in_dim3A_24 = vector.broadcast %broadcast_in_dim3A_23 : f32 to vector<112x128xf32>
    %swap3A_25 = arith.constant 10000 : index
    %swap3A_26 = arith.constant 0 : index
    %swap3A_27 = vector.load %arg4[%swap3A_25, %swap3A_26] : memref<10112x128xf32, #tpu.memory_space<vmem>>, vector<112x128xf32>
    tpu.vector_store %arg4[%swap3A_25, %swap3A_26], %broadcast_in_dim3A_24 {strides = array<i32>} : memref<10112x128xf32, #tpu.memory_space<vmem>>, vector<112x128xf32>,
    return
  }
}

module attributes {stable_mosaic.version = 14 : i64} {
  func.func @_finalize_body(%arg0: memref<2x10112x128xf32, #tpu.memory_space<vmem>>, %arg1: memref<10000x128xf32, #tpu.memory_space<vmem>>, %arg2: memref<2x10240xf32, #tpu.memory_space<vmem>>, %arg3: memref<128xf32, #tpu.memory_space<vmem>>, %arg4: memref<10000x128xf32, #tpu.memory_space<vmem>>) attributes {dimension_semantics = [], scalar_prefetch = 0 : i64, scratch_operands = 0 : i64, tpu.core_type = #tpu.core_type<tc>} {
    %get3A = arith.constant 0 : index
    %get3A_0 = arith.constant 0 : index
    %get3A_1 = vector.load %arg2[%get3A, %get3A_0] : memref<2x10240xf32, #tpu.memory_space<vmem>>, vector<1x10000xf32>
    %get3A_2 = vector.shape_cast %get3A_1 : vector<1x10000xf32> to vector<10000xf32>
    %get3A_3 = arith.constant 1 : index
    %get3A_4 = arith.constant 0 : index
    %get3A_5 = vector.load %arg2[%get3A_3, %get3A_4] : memref<2x10240xf32, #tpu.memory_space<vmem>>, vector<1x10000xf32>
    %get3A_6 = vector.shape_cast %get3A_5 : vector<1x10000xf32> to vector<10000xf32>
    %add3A = arith.addf %get3A_2, %get3A_6 : vector<10000xf32>
    %add3A_7 = arith.constant 1.000000e+00 : f32
    %add3A_8 = vector.broadcast %add3A_7 : f32 to vector<10000xf32>
    %add3A_9 = arith.addf %add3A, %add3A_8 : vector<10000xf32>
    %rsqrt3A = math.rsqrt %add3A_9 : vector<10000xf32>
    %get3A_10 = arith.constant 0 : index
    %get3A_11 = arith.constant 0 : index
    %get3A_12 = arith.constant 0 : index
    %get3A_13 = vector.load %arg0[%get3A_10, %get3A_11, %get3A_12] : memref<2x10112x128xf32, #tpu.memory_space<vmem>>, vector<1x10000x128xf32>
    %get3A_14 = vector.shape_cast %get3A_13 : vector<1x10000x128xf32> to vector<10000x128xf32>
    %get3A_15 = arith.constant 1 : index
    %get3A_16 = arith.constant 0 : index
    %get3A_17 = arith.constant 0 : index
    %get3A_18 = vector.load %arg0[%get3A_15, %get3A_16, %get3A_17] : memref<2x10112x128xf32, #tpu.memory_space<vmem>>, vector<1x10000x128xf32>
    %get3A_19 = vector.shape_cast %get3A_18 : vector<1x10000x128xf32> to vector<10000x128xf32>
    %add3A_20 = arith.addf %get3A_14, %get3A_19 : vector<10000x128xf32>
    %get3A_21 = arith.constant 0 : index
    %get3A_22 = arith.constant 0 : index
    %get3A_23 = vector.load %arg1[%get3A_21, %get3A_22] : memref<10000x128xf32, #tpu.memory_space<vmem>>, vector<10000x128xf32>
    %add3A_24 = arith.addf %add3A_20, %get3A_23 : vector<10000x128xf32>
    %broadcast_in_dim3A = vector.shape_cast %rsqrt3A : vector<10000xf32> to vector<10000x1xf32>
    %mul3A = vector.broadcast %broadcast_in_dim3A : vector<10000x1xf32> to vector<10000x128xf32>
    %mul3A_25 = arith.mulf %add3A_24, %mul3A : vector<10000x128xf32>
    %get3A_26 = arith.constant 0 : index
    %get3A_27 = vector.load %arg3[%get3A_26] : memref<128xf32, #tpu.memory_space<vmem>>, vector<128xf32>
    %broadcast_in_dim3A_28 = vector.shape_cast %get3A_27 : vector<128xf32> to vector<1x128xf32>
    %add3A_29 = vector.broadcast %broadcast_in_dim3A_28 : vector<1x128xf32> to vector<10000x128xf32>
    %add3A_30 = arith.addf %mul3A_25, %add3A_29 : vector<10000x128xf32>
    %swap3A = arith.constant 0 : index
    %swap3A_31 = arith.constant 0 : index
    %swap3A_32 = vector.load %arg4[%swap3A, %swap3A_31] : memref<10000x128xf32, #tpu.memory_space<vmem>>, vector<10000x128xf32>
    tpu.vector_store %arg4[%swap3A, %swap3A_31], %add3A_30 {strides = array<i32>} : memref<10000x128xf32, #tpu.memory_space<vmem>>, vector<10000x128xf32>,
    return
  }
}

</mosaic_0001>

<sc_bundles>
// kernel: kernel.6.cloned.1.call-start
scs
__scs_entry_jumppad:
0x0: {  	(pc) =	sbr.rel $0x88, $3  }
0x1: {  	(tag) =	ssettag $0x0;
	lr =	simm.s32 $0x1  }
0x2: {  	[smem:$0x3F9D] =	sst lr;
	_ =	strace $0xD0000000  }
0x3: {  	_ = 	snop  }
0x4: {  	_ = 	snop  }
0x5: {  	_ = 	snop  }
0x6: {  	_ = 	snop  }
0x7: {  	_ = 	snop  }
__scs_overlays_trampoline_lowered:
0x8: {  	[smem:$0x3FAC] =	sst s0  }
0x9: {  	[smem:$0x3FAD] =	sst s1  }
0xa: {  	[smem:$0x3FAE] =	sst s2  }
0xb: {  	[smem:$0x3FAF] =	sst s3  }
0xc: {  	[smem:$0x3FB0] =	sst s4  }
0xd: {  	[smem:$0x3FB1] =	sst s5  }
0xe: {  	[smem:$0x3FB2] =	sst s6  }
0xf: {  	[smem:$0x3FB3] =	sst s7  }
0x10: {  	[smem:$0x3FB4] =	sst s8  }
0x11: {  	[smem:$0x3FB5] =	sst s9;
	s0 =	simm.s32 @!p0 $0x0  }
0x12: {  	s1 =	sld [smem:$0x3F9B];
	s0 =	simm.s32 @p0 $0x1  }
0x13: {  	[smem:$0x3FB6] =	sst s0;
	s0 =	simm.s32 @!p1 $0x0  }
0x14: {  	s2 =	sld [smem:$0x3F9A];
	s0 =	simm.s32 @p1 $0x1  }
0x15: {  	[smem:$0x3FB7] =	sst s0;
	s0 =	simm.s32 @!p2 $0x0  }
0x16: {  	s3 =	sld [smem:$0x3FDB];
	s0 =	simm.s32 @p2 $0x1  }
0x17: {  	s4 =	simm.s32 $0x1BF5;
	[smem:$0x3FB9] =	sst s0  }
0x18: {  	s0 =	sld [smem:$0x3F9C];
	_ =	swait.ge [sflag:s4], $0x0  }
0x19: {  	s7 =	sld [smem:$0x3F9D]  }
0x1a: {  	s8 =	sadd.s32 $0xFFFFE003, lr  }
0x1b: {  	s9 =	sadd.s32 $0xFFFFFEF7, lr;
	s5 =	simm.s32 $0xFFFFFFFF;
	p2 =	slt.u32 s8, $0xFFFFF086  }
0x1c: {  	p1 =	slt.u32 s9, $0xF7A;
	s5 =	simm.s32 @!p2 $0x0  }
0x1d: {  	s5 =	simm.s32 @p1 $0x1;
	p0 =	seq.s32 s7, s2  }
0x1e: {  	s7 =	smul.u32 @!p0 $0xF7A, s2;
	p2 =	seq.s32 @!p0 s5, $0x0  }
0x1f: {  	s9 =	smul.u32 $0xF7A, s1;
	s8 =	simm.s32 @!p0 $0x1BF5;
	p2 =	por !p2, p0  }
0x20: {  	[sflag:s8] =	ssyncset.s32 @!p0 $0xFFFFF086;
	s6 =	sadd.s32 @!p0 s3, s7;
	s7 =	simm.s32 @!p0 $0x108  }
0x21: {  	s3 =	sadd.s32 s3, s9;
	s6 =	sadd.s32 @!p0 $0x88, s6;
	s7 =	simm.s32 @p2 $0x1082  }
0x22: {  	[simem:s7], [sflag:s8] =	dma.local @!p0 [hbm:s6], $0xF7A  }
0x23: {  	s9 =	sor.u32 $0xD0000000, s2;
	s6 =	simm.s32 $0x108;
	_ =	swait.ge @!p0 [sflag:s8], $0x0  }
0x24: {  	s3 =	sadd.s32 $0x88, s3;
	s6 =	simm.s32 @!p1 $0x1082;
	[sflag:s4] =	ssyncset.s32 $0xFFFFF086  }
0x25: {  	[simem:s6], [sflag:s4] =	dma.local [hbm:s3], $0xF7A  }
0x26: {  	[smem:$0x3F9D] =	sst s1;
	(tag) =	ssettag s2;
	_ =	strace s9  }
0x27: {  	s1 =	sld [smem:$0x3FAD]  }
0x28: {  	s2 =	sld [smem:$0x3FAE]  }
0x29: {  	s4 =	sld [smem:$0x3FB0]  }
0x2a: {  	p0 =	seq.s32 s5, $0x0;
	s5 =	sld [smem:$0x3FB1]  }
0x2b: {  	s6 =	sld [smem:$0x3FB2]  }
0x2c: {  	s7 =	sld [smem:$0x3FB3]  }
0x2d: {  	s3 =	simm.s32 $0x108;
	s8 =	sld [smem:$0x3FB4]  }
0x2e: {  	s3 =	simm.s32 @!p0 $0x1082;
	s9 =	sld [smem:$0x3FB5]  }
0x2f: {  	lr =	sadd.s32 s0, s3;
	s0 =	sld [smem:$0x3FAC]  }
0x30: {  	s3 =	sld [smem:$0x3FAF]  }
0x31: {  	[smem:$0x3FB8] =	sst s10  }
0x32: {  	s10 =	sld [smem:$0x3FB6];
	_ =	sdelay $0x3  }
0x33: {  	p0 =	seq.s32 s10, $0x1;
	s10 =	sld [smem:$0x3FB8];
	_ =	sdelay $0x3  }
0x34: {  	[smem:$0x3FB8] =	sst s10  }
0x35: {  	s10 =	sld [smem:$0x3FB7];
	_ =	sdelay $0x3  }
0x36: {  	p1 =	seq.s32 s10, $0x1;
	s10 =	sld [smem:$0x3FB8];
	_ =	sdelay $0x3  }
0x37: {  	[smem:$0x3FB8] =	sst s10  }
0x38: {  	s10 =	sld [smem:$0x3FB9]  }
0x39: {  	_ = 	snop;
	(pc) =	sbr.ind lr, $3  }
0x3a: {  	_ = 	snop  }
0x3b: {  	_ = 	snop  }
0x3c: {  	p2 =	seq.s32 s10, $0x1;
	s10 =	sld [smem:$0x3FB8]  }
0x3d: {  	_ =	shalt  }
0x3e: {  	_ =	shalt  }
0x3f: {  	_ =	shalt  }
0x40: {  	_ =	shalt  }
0x41: {  	_ =	shalt  }
0x42: {  	_ =	shalt  }
0x43: {  	_ =	shalt  }
0x44: {  	_ =	shalt  }
0x45: {  	_ =	shalt  }
0x46: {  	_ =	shalt  }
0x47: {  	_ =	shalt  }
0x48: {  	_ =	shalt  }
0x49: {  	_ =	shalt  }
0x4a: {  	_ =	shalt  }
0x4b: {  	_ =	shalt  }
0x4c: {  	_ =	shalt  }
0x4d: {  	_ =	shalt  }
0x4e: {  	_ =	shalt  }
0x4f: {  	_ =	shalt  }
0x50: {  	_ =	shalt  }
0x51: {  	_ =	shalt  }
0x52: {  	_ =	shalt  }
0x53: {  	_ =	shalt  }
0x54: {  	_ =	shalt  }
0x55: {  	_ =	shalt  }
0x56: {  	_ =	shalt  }
0x57: {  	_ =	shalt  }
0x58: {  	_ =	shalt  }
0x59: {  	_ =	shalt  }
0x5a: {  	_ =	shalt  }
0x5b: {  	_ =	shalt  }
0x5c: {  	_ =	shalt  }
0x5d: {  	_ =	shalt  }
0x5e: {  	_ =	shalt  }
0x5f: {  	_ =	shalt  }
0x60: {  	_ =	shalt  }
0x61: {  	_ =	shalt  }
0x62: {  	_ =	shalt  }
0x63: {  	_ =	shalt  }
0x64: {  	_ =	shalt  }
0x65: {  	_ =	shalt  }
0x66: {  	_ =	shalt  }
0x67: {  	_ =	shalt  }
0x68: {  	_ =	shalt  }
0x69: {  	_ =	shalt  }
0x6a: {  	_ =	shalt  }
0x6b: {  	_ =	shalt  }
0x6c: {  	_ =	shalt  }
0x6d: {  	_ =	shalt  }
0x6e: {  	_ =	shalt  }
0x6f: {  	_ =	shalt  }
0x70: {  	_ =	shalt  }
0x71: {  	_ =	shalt  }
0x72: {  	_ =	shalt  }
0x73: {  	_ =	shalt  }
0x74: {  	_ =	shalt  }
0x75: {  	_ =	shalt  }
0x76: {  	_ =	shalt  }
0x77: {  	_ =	shalt  }
0x78: {  	_ =	shalt  }
0x79: {  	_ =	shalt  }
0x7a: {  	_ =	shalt  }
0x7b: {  	_ =	shalt  }
0x7c: {  	_ =	shalt  }
0x7d: {  	_ =	shalt  }
0x7e: {  	_ =	shalt  }
0x7f: {  	_ =	shalt  }
0x80: {  	_ =	shalt  }
0x81: {  	_ =	shalt  }
0x82: {  	_ =	shalt  }
0x83: {  	_ =	shalt  }
0x84: {  	_ =	shalt  }
0x85: {  	_ =	shalt  }
0x86: {  	_ =	shalt  }
0x87: {  	_ =	shalt  }
.Lfunc_end0:
.L_simem_size_0:
called_computation_lowered:
.L_overlay_start_0:
0x88: {  	s2 =	sld [smem:$0x3FD9]  }
0x89: {  	s3 =	sld [smem:$0x3FFE];
	_ =	sdelay $0x1  }
0x8a: {  	s1 =	srdreg.scid  }
0x8b: {  	s0 =	sand.u32 $0x1, s1  }
0x8c: {  	s16 =	sshll.u32 s0, $0xA;
	s2 =	sadd.s32 s3, s2  }
0x8d: {  	s2 =	sadd.s32 s2, s16  }
0x8e: {  	[smem:$0x3FC4] =	sst s2  }
0x8f: {  	_ = 	snop  }
0x90: {  	(tm) =	ssettm $0x1  }
0x91: {  	s17 =	sld [smem:$0x3FFB];
	_ =	sdelay $0x3  }
0x92: {  	_ =	strace s17  }
0x93: {  	s2 =	sld [smem:$0x3FFC];
	_ =	sdelay $0x3  }
0x94: {  	_ =	strace s2  }
0x95: {  	s2 =	sld [smem:$0x3FFD];
	_ =	sdelay $0x3  }
0x96: {  	_ =	strace s2  }
0x97: {  	_ =	strace $0x8FFFFFFF  }
0x98: {  	s18 =	sld [smem:$0x3FDB];
	_ =	sdelay $0x1  }
0x99: {  	s19 =	simm.s32 $_scs_section_size  }
0x9a: {  	s4 =	simm.s32 $_size__tile_overlayer_lowered;
	s5 =	simm.s32 $_tile_overlayer_lowered  }
0x9b: {  	s22 =	simm.s32 $0x1BFF;
	s21 =	sshll.u32 s5, $0x1;
	s2 =	sadd.s32 s19, s18  }
0x9c: {  	s6 =	simm.s32 $0x0;
	s20 =	sshll.u32 s4, $0x1;
	s4 =	sadd.s32 s21, s2  }
0x9d: {  	[timem:s6], [sflag:s22] =	dma.local [hbm:s4], s20  }
0x9e: {  	_ =	swait.ge [sflag:s22], s20  }
0x9f: {  	s3 =	ssub.s32 $0x0, s20;
	[sflag:s22] =	ssyncset.done $0x0  }
0xa0: {  	[sflag:s22] =	ssyncadd.s32 s3;
	_ =	sdelay $0x1  }
0xa1: {  	s23 =	simm.s32 $0x1B8B  }
0xa2: {  	_ =	swait.ge [sflag:s23], $0x1  }
0xa3: {  	[sflag:s23] =	ssyncset.done $0x0  }
0xa4: {  	s25 =	simm.s32 $0x1B8E;
	s24 =	sld [smem:$0x3FFE];
	[sflag:s23] =	ssyncadd.s32 $0xFFFFFFFF  }
0xa5: {  	s26 =	simm.s32 $execute0_lowered;
	[smem:$0x3FD2] =	sst s25  }
0xa6: {  	s4 =	sshll.u32 s26, $0x1;
	_ =	strace $0x80000046;
	[dreg:$0x1] =	wrdreg $0xFFFFFFFF  }
0xa7: {  	s28 =	simm.s32 $_size_execute0_lowered;
	s2 =	sadd.s32 s2, s4;
	[dreg:$0x0] =	wrdreg $0x0  }
0xa8: {  	s4 =	sshll.u32 s28, $0x1;
	[dreg:$0x2] =	wrdreg s2  }
0xa9: {  	[dreg:$0x3] =	wrdreg s4  }
0xaa: {  	[dreg:$0x4] =	wrdreg $0xC0  }
0xab: {  	_ =	task [dreg:s6], $0x5FFFF  }
0xac: {  	[dreg:$0x1] =	wrdreg $0xFFFFFFFF  }
0xad: {  	[dreg:$0x0] =	wrdreg $0x60  }
0xae: {  	[dreg:$0x2] =	wrdreg s24  }
0xaf: {  	[dreg:$0x3] =	wrdreg $0x2B000  }
0xb0: {  	[dreg:$0x4] =	wrdreg $0x9  }
0xb1: {  	_ =	task.clear_ibuf [dreg:s6], $0x5FFFF;
	_ =	strace $0x90000046  }
0xb2: {  	s29 =	simm.s32 $0x9;
	_ =	strace $0x80000048  }
0xb3: {  	_ =	swait.ge [sflag:s29], $0x1  }
0xb4: {  	[sflag:s29] =	ssyncadd.s32 $0xFFFFFFFF  }
0xb5: {  	_ =	strace $0x90000048  }
0xb6: {  	_ =	sfence  }
0xb7: {  	s30 =	sld [smem:$0x0];
	_ =	sdelay $0x2  }
0xb8: {  	s31 =	sshll.u32 s1, $0xD;
	s1 =	sshrl.u32 s1, $0x2  }
0xb9: {  	s3 =	sand.u32 $0x4000, s31;
	s1 =	sadd.s32 s1, s30  }
0xba: {  	s0 =	sor.u32 s3, s0;
	s1 =	sshll.u32 s1, $0x11  }
0xbb: {  	s0 =	sor.u32 s1, s0  }
0xbc: {  	s0 =	sadd.s32 $0x8F2B, s0  }
0xbd: {  	[sflag:s0] =	ssyncadd.remote.s32 $0x1  }
0xbe: {  	_ =	sfence.sel $0xFFFF  }
0xbf: {  	[dreg:$0x0] =	wrdreg $0xFFFFFFFF;
	(pc) =	sbr.abs _section_cstart, $3  }
0xc0: {  	[dreg:$0x1] =	wrdreg $0xFFFFFFFF  }
0xc1: {  	_ =	task.clear_ibuf [dreg:s6], $0x2FFFF;
	_ =	strace $0x9FFFFFFF  }
0xc2: {  	(tm) =	ssettm $0x7FFFFFFF  }
0xc3: {  	_ =	shalt  }
tec
execute0_lowered:
.L_overlay_start_1:
0x0: {  	(tag) =	ssettag $0x1  }
0x1: {  	s4 =	rddreg [dreg:$0x0]  }
0x2: {  	s1 =	rddreg [dreg:$0x1]  }
0x3: {  	s2 =	srdreg.scid;
	s0 =	rddreg [dreg:$0x2];
	s3 =	simm.s32 $0x0  }
0x4: {  	s10 =	simm.s32 $0x80;
	s11 =	simm.s32 $0x2800;
	s12 =	simm.s32 $0x1  }
0x5: {  	s15 =	simm.s32 $0x20;
	s16 =	simm.s32 $0x10;
	s17 =	simm.s32 $0x0  }
0x6: {  	s5 =	sand.u32 $0x1, s2;
	s2 =	stileid.u32;
	[smem:$0x7FF] =	sst s3  }
0x7: {  	s6 =	sshll.u32 s5, $0x4;
	s7 =	smul.u32 $0x500, s2;
	_ =	strace $0x80000047  }
0x8: {  	s8 =	sshll.u32 s5, $0x7;
	s5 =	ssub.s32 $0x2, s5;
	s30 =	smul.u32 $0xA00, s2  }
0x9: {  	s13 =	sshll.u32 s2, $0x6;
	s6 =	sor.u32 s2, s6;
	s9 =	sshrl.u32 s5, $0x1  }
0xa: {  	s13 =	sor.u32 $0x1C02, s13;
	s6 =	smul.u32 $0x500, s6;
	s7 =	sor.u32 s8, s7  }
0xb: {  	s9 =	ssub.s32 s5, s9;
	s31 =	sshrl.u32 s30, $0x2;
	s7 =	sshrl.u32 s7, $0x3  }
0xc: {  	s8 =	simm.s32 $0x2880;
	s6 =	sadd.s32 s6, s4;
	s7 =	sadd.s32 s7, s4  }
0xd: {  	s4 =	sadd.s32 s31, s1;
	s5 =	sadd.s32 $0x1400, s6;
	s6 =	sadd.s32 $0xB400, s7  }
0xe: {  	v0 =	vimm.f32 $0.0e+00;
	v1 =	vimm.f32 $1.000000000e+00;
	s7 =	smax.u32 s9, $0x1;
	s9 =	simm.s32 $0x2;
	s14 =	sshrl.u32 s4, $0x3  }
.LBB2_1:
0xf: {  	[tilespmem:$0x2880] =	vst v0  }
0x10: {  	[tilespmem:$0x2890] =	vst v0  }
0x11: {  	[tilespmem:$0x28A0] =	vst v0  }
0x12: {  	[tilespmem:$0x28B0] =	vst v0  }
0x13: {  	[tilespmem:$0x28C0] =	vst v0  }
0x14: {  	[tilespmem:$0x28D0] =	vst v0  }
0x15: {  	[tilespmem:$0x28E0] =	vst v0  }
0x16: {  	[tilespmem:$0x28F0] =	vst v0  }
0x17: {  	[tilespmem:$0x2900] =	vst v0  }
0x18: {  	[tilespmem:$0x2910] =	vst v0  }
0x19: {  	[tilespmem:$0x2920] =	vst v0  }
0x1a: {  	[tilespmem:$0x2930] =	vst v0  }
0x1b: {  	[tilespmem:$0x2940] =	vst v0  }
0x1c: {  	[tilespmem:$0x2950] =	vst v0  }
0x1d: {  	[tilespmem:$0x2960] =	vst v0  }
0x1e: {  	[tilespmem:$0x2970] =	vst v0  }
0x1f: {  	[tilespmem:$0x2980] =	vst v0  }
0x20: {  	[tilespmem:$0x2990] =	vst v0  }
0x21: {  	[tilespmem:$0x29A0] =	vst v0  }
0x22: {  	[tilespmem:$0x29B0] =	vst v0  }
0x23: {  	[tilespmem:$0x29C0] =	vst v0  }
0x24: {  	[tilespmem:$0x29D0] =	vst v0  }
0x25: {  	[tilespmem:$0x29E0] =	vst v0  }
0x26: {  	[tilespmem:$0x29F0] =	vst v0  }
0x27: {  	[tilespmem:$0x2A00] =	vst v0  }
0x28: {  	[tilespmem:$0x2A10] =	vst v0  }
0x29: {  	[tilespmem:$0x2A20] =	vst v0  }
0x2a: {  	[tilespmem:$0x2A30] =	vst v0  }
0x2b: {  	[tilespmem:$0x2A40] =	vst v0  }
0x2c: {  	[tilespmem:$0x2A50] =	vst v0  }
0x2d: {  	[tilespmem:$0x2A60] =	vst v0  }
0x2e: {  	[tilespmem:$0x2A70] =	vst v0  }
0x2f: {  	[tilespmem:$0x2A80] =	vst v0  }
0x30: {  	[tilespmem:$0x2A90] =	vst v0  }
0x31: {  	[tilespmem:$0x2AA0] =	vst v0  }
0x32: {  	[tilespmem:$0x2AB0] =	vst v0  }
0x33: {  	[tilespmem:$0x2AC0] =	vst v0  }
0x34: {  	[tilespmem:$0x2AD0] =	vst v0  }
0x35: {  	[tilespmem:$0x2AE0] =	vst v0  }
0x36: {  	[tilespmem:$0x2AF0] =	vst v0  }
0x37: {  	[tilespmem:$0x2800] =	vst v1  }
0x38: {  	[tilespmem:$0x2810] =	vst v1  }
0x39: {  	[tilespmem:$0x2820] =	vst v1  }
0x3a: {  	[tilespmem:$0x2830] =	vst v1  }
0x3b: {  	[tilespmem:$0x2840] =	vst v1  }
0x3c: {  	[tilespmem:$0x2850] =	vst v1  }
0x3d: {  	[tilespmem:$0x2860] =	vst v1  }
0x3e: {  	[tilespmem:$0x2870] =	vst v1  }
0x3f: {  	[spmem:s4] =	stream.linear.scatter [tilespmem:s8], [sflag:$0x2], $0x280, $0x38;
	[tilespmem:$0x2D80] =	vst v63  }
0x40: {  	_ =	swait.ge [sflag:s9], $0x280  }
0x41: {  	[sflag:s9] =	ssyncset.done $0x0  }
0x42: {  	[sflag:s9] =	ssyncadd.s32 $0xFFFFFD80  }
0x43: {  	[tilespmem:s3], [sflag:$0x2] =	stream.linear.gather [hbm4b:s5+s3], $0x2800, $0x38;
	[tilespmem:$0x2D80] =	vst v63  }
0x44: {  	_ =	swait.ge [sflag:s9], $0x2800  }
0x45: {  	[sflag:s9] =	ssyncset.done $0x0  }
0x46: {  	[sflag:s9] =	ssyncadd.s32 $0xFFFFD800  }
0x47: {  	s18 =	simm.s32 $0x0;
	[bflag:$0x0] =	sbarrier.arrive $0xFFFF  }
0x48: {  	[spmem:s1] =	stream.indirect.scatter.add.f32 [tilespmem:s11], [sflag:$0x1], $0x1, s18, s10, $0xb8;
	[tilespmem:$0x2D80] =	vst v63  }
0x49: {  	s24 =	simm.s32 $0x80  }
0x4a: {  	[spmem:s1] =	stream.indirect.scatter.add.f32 [tilespmem:s11], [sflag:$0x1], $0x1, s24, s10, $0xb8;
	[tilespmem:$0x2D80] =	vst v63  }
0x4b: {  	s25 =	simm.s32 $0x100  }
0x4c: {  	[spmem:s1] =	stream.indirect.scatter.add.f32 [tilespmem:s11], [sflag:$0x1], $0x1, s25, s10, $0xb8;
	[tilespmem:$0x2D80] =	vst v63  }
0x4d: {  	s26 =	simm.s32 $0x180  }
0x4e: {  	[spmem:s1] =	stream.indirect.scatter.add.f32 [tilespmem:s11], [sflag:$0x1], $0x1, s26, s10, $0xb8;
	[tilespmem:$0x2D80] =	vst v63  }
0x4f: {  	s28 =	simm.s32 $0x200  }
0x50: {  	[spmem:s1] =	stream.indirect.scatter.add.f32 [tilespmem:s11], [sflag:$0x1], $0x1, s28, s10, $0xb8;
	[tilespmem:$0x2D80] =	vst v63  }
0x51: {  	s29 =	simm.s32 $0x280  }
0x52: {  	[spmem:s1] =	stream.indirect.scatter.add.f32 [tilespmem:s11], [sflag:$0x1], $0x1, s29, s10, $0xb8;
	[tilespmem:$0x2D80] =	vst v63  }
0x53: {  	s30 =	simm.s32 $0x300  }
0x54: {  	[spmem:s1] =	stream.indirect.scatter.add.f32 [tilespmem:s11], [sflag:$0x1], $0x1, s30, s10, $0xb8;
	[tilespmem:$0x2D80] =	vst v63  }
0x55: {  	s31 =	simm.s32 $0x380  }
0x56: {  	[spmem:s1] =	stream.indirect.scatter.add.f32 [tilespmem:s11], [sflag:$0x1], $0x1, s31, s10, $0xb8;
	[tilespmem:$0x2D80] =	vst v63  }
0x57: {  	_ =	swait.ge [sflag:s12], $0x80  }
0x58: {  	[sflag:s12] =	ssyncset.done $0x0  }
0x59: {  	[sflag:s12] =	ssyncadd.s32 $0xFFFFFF80  }
0x5a: {  	_ =	swait.ge [sflag:s12], $0x80  }
0x5b: {  	[sflag:s12] =	ssyncset.done $0x0  }
0x5c: {  	[sflag:s12] =	ssyncadd.s32 $0xFFFFFF80  }
0x5d: {  	_ =	swait.ge [sflag:s12], $0x80  }
0x5e: {  	[sflag:s12] =	ssyncset.done $0x0  }
0x5f: {  	[sflag:s12] =	ssyncadd.s32 $0xFFFFFF80  }
0x60: {  	_ =	swait.ge [sflag:s12], $0x80  }
0x61: {  	[sflag:s12] =	ssyncset.done $0x0  }
0x62: {  	[sflag:s12] =	ssyncadd.s32 $0xFFFFFF80  }
0x63: {  	_ =	swait.ge [sflag:s12], $0x80  }
0x64: {  	[sflag:s12] =	ssyncset.done $0x0  }
0x65: {  	[sflag:s12] =	ssyncadd.s32 $0xFFFFFF80  }
0x66: {  	_ =	swait.ge [sflag:s12], $0x80  }
0x67: {  	[sflag:s12] =	ssyncset.done $0x0  }
0x68: {  	[sflag:s12] =	ssyncadd.s32 $0xFFFFFF80  }
0x69: {  	_ =	swait.ge [sflag:s12], $0x80  }
0x6a: {  	[sflag:s12] =	ssyncset.done $0x0  }
0x6b: {  	[sflag:s12] =	ssyncadd.s32 $0xFFFFFF80  }
0x6c: {  	_ =	swait.ge [sflag:s12], $0x80  }
0x6d: {  	s20 =	simm.s32 $0x2000;
	s18 =	simm.s32 $0x1000;
	[sflag:s12] =	ssyncset.done $0x0  }
.LBB2_2:
0x6e: {  	s21 =	sshra.s32 s18, $0x2  }
0x6f: {  	[sflag:s12] =	ssyncadd.s32 $0xFFFFFF80;
	s18 =	smov.u32 s20;
	s19 =	sadd.s32 $0x1000, s20  }
0x70: {  	[spmem:s1] =	stream.indirect.scatter.add.f32 [tilespmem:s11], [sflag:$0x1], $0x1, s21, s10, $0xb8;
	[tilespmem:$0x2D80] =	vst v63  }
0x71: {  	p0 =	sne.s32 s20, $0x9000;
	s20 =	sadd.s32 $0x80, s21  }
0x72: {  	[spmem:s1] =	stream.indirect.scatter.add.f32 [tilespmem:s11], [sflag:$0x1], $0x1, s20, s10, $0xb8;
	[tilespmem:$0x2D80] =	vst v63  }
0x73: {  	s20 =	sadd.s32 $0x100, s21  }
0x74: {  	[spmem:s1] =	stream.indirect.scatter.add.f32 [tilespmem:s11], [sflag:$0x1], $0x1, s20, s10, $0xb8;
	[tilespmem:$0x2D80] =	vst v63  }
0x75: {  	s20 =	sadd.s32 $0x180, s21  }
0x76: {  	[spmem:s1] =	stream.indirect.scatter.add.f32 [tilespmem:s11], [sflag:$0x1], $0x1, s20, s10, $0xb8;
	[tilespmem:$0x2D80] =	vst v63  }
0x77: {  	s20 =	sadd.s32 $0x200, s21  }
0x78: {  	[spmem:s1] =	stream.indirect.scatter.add.f32 [tilespmem:s11], [sflag:$0x1], $0x1, s20, s10, $0xb8;
	[tilespmem:$0x2D80] =	vst v63  }
0x79: {  	s20 =	sadd.s32 $0x280, s21  }
0x7a: {  	[spmem:s1] =	stream.indirect.scatter.add.f32 [tilespmem:s11], [sflag:$0x1], $0x1, s20, s10, $0xb8;
	[tilespmem:$0x2D80] =	vst v63  }
0x7b: {  	s20 =	sadd.s32 $0x300, s21  }
0x7c: {  	[spmem:s1] =	stream.indirect.scatter.add.f32 [tilespmem:s11], [sflag:$0x1], $0x1, s20, s10, $0xb8;
	[tilespmem:$0x2D80] =	vst v63  }
0x7d: {  	s20 =	sadd.s32 $0x380, s21  }
0x7e: {  	[spmem:s1] =	stream.indirect.scatter.add.f32 [tilespmem:s11], [sflag:$0x1], $0x1, s20, s10, $0xb8;
	[tilespmem:$0x2D80] =	vst v63  }
0x7f: {  	_ =	swait.ge [sflag:s12], $0x80  }
0x80: {  	[sflag:s12] =	ssyncset.done $0x0  }
0x81: {  	[sflag:s12] =	ssyncadd.s32 $0xFFFFFF80  }
0x82: {  	_ =	swait.ge [sflag:s12], $0x80  }
0x83: {  	[sflag:s12] =	ssyncset.done $0x0  }
0x84: {  	[sflag:s12] =	ssyncadd.s32 $0xFFFFFF80  }
0x85: {  	_ =	swait.ge [sflag:s12], $0x80  }
0x86: {  	[sflag:s12] =	ssyncset.done $0x0  }
0x87: {  	[sflag:s12] =	ssyncadd.s32 $0xFFFFFF80  }
0x88: {  	_ =	swait.ge [sflag:s12], $0x80  }
0x89: {  	[sflag:s12] =	ssyncset.done $0x0  }
0x8a: {  	[sflag:s12] =	ssyncadd.s32 $0xFFFFFF80  }
0x8b: {  	_ =	swait.ge [sflag:s12], $0x80  }
0x8c: {  	[sflag:s12] =	ssyncset.done $0x0  }
0x8d: {  	[sflag:s12] =	ssyncadd.s32 $0xFFFFFF80  }
0x8e: {  	_ =	swait.ge [sflag:s12], $0x80  }
0x8f: {  	[sflag:s12] =	ssyncset.done $0x0  }
0x90: {  	[sflag:s12] =	ssyncadd.s32 $0xFFFFFF80  }
.Ltmp0:
0x91: {  	_ =	swait.ge [sflag:s12], $0x80;
	(pc) =	sbr.rel @p0 .LBB2_2-.Ltmp0, $4  }
0x92: {  	[sflag:s12] =	ssyncset.done $0x0  }
0x93: {  	[sflag:s12] =	ssyncadd.s32 $0xFFFFFF80  }
0x94: {  	_ =	swait.ge [sflag:s12], $0x80  }
0x95: {  	s20 =	smov.u32 s19;
	[sflag:s12] =	ssyncset.done $0x0  }
0x96: {  	s18 =	sshra.s32 s18, $0x2;
	[sflag:s12] =	ssyncadd.s32 $0xFFFFFF80  }
0x97: {  	[spmem:s1] =	stream.indirect.scatter.add.f32 [tilespmem:s11], [sflag:$0x1], $0x1, s18, s10, $0xb8;
	[tilespmem:$0x2D80] =	vst v63  }
0x98: {  	s19 =	sadd.s32 $0x80, s18  }
0x99: {  	[spmem:s1] =	stream.indirect.scatter.add.f32 [tilespmem:s11], [sflag:$0x1], $0x1, s19, s10, $0xb8;
	[tilespmem:$0x2D80] =	vst v63  }
0x9a: {  	s26 =	sadd.s32 $0x100, s18  }
0x9b: {  	[spmem:s1] =	stream.indirect.scatter.add.f32 [tilespmem:s11], [sflag:$0x1], $0x1, s26, s10, $0xb8;
	[tilespmem:$0x2D80] =	vst v63  }
0x9c: {  	s28 =	sadd.s32 $0x180, s18  }
0x9d: {  	[spmem:s1] =	stream.indirect.scatter.add.f32 [tilespmem:s11], [sflag:$0x1], $0x1, s28, s10, $0xb8;
	[tilespmem:$0x2D80] =	vst v63  }
0x9e: {  	s29 =	sadd.s32 $0x200, s18  }
0x9f: {  	[spmem:s1] =	stream.indirect.scatter.add.f32 [tilespmem:s11], [sflag:$0x1], $0x1, s29, s10, $0xb8;
	[tilespmem:$0x2D80] =	vst v63  }
0xa0: {  	s30 =	sadd.s32 $0x280, s18  }
0xa1: {  	[spmem:s1] =	stream.indirect.scatter.add.f32 [tilespmem:s11], [sflag:$0x1], $0x1, s30, s10, $0xb8;
	[tilespmem:$0x2D80] =	vst v63  }
0xa2: {  	s31 =	sadd.s32 $0x300, s18  }
0xa3: {  	[spmem:s1] =	stream.indirect.scatter.add.f32 [tilespmem:s11], [sflag:$0x1], $0x1, s31, s10, $0xb8;
	[tilespmem:$0x2D80] =	vst v63  }
0xa4: {  	s18 =	sadd.s32 $0x380, s18  }
0xa5: {  	[spmem:s1] =	stream.indirect.scatter.add.f32 [tilespmem:s11], [sflag:$0x1], $0x1, s18, s10, $0xb8;
	[tilespmem:$0x2D80] =	vst v63  }
0xa6: {  	_ =	swait.ge [sflag:s12], $0x80  }
0xa7: {  	[sflag:s12] =	ssyncset.done $0x0  }
0xa8: {  	[sflag:s12] =	ssyncadd.s32 $0xFFFFFF80  }
0xa9: {  	_ =	swait.ge [sflag:s12], $0x80  }
0xaa: {  	[sflag:s12] =	ssyncset.done $0x0  }
0xab: {  	[sflag:s12] =	ssyncadd.s32 $0xFFFFFF80  }
0xac: {  	_ =	swait.ge [sflag:s12], $0x80  }
0xad: {  	[sflag:s12] =	ssyncset.done $0x0  }
0xae: {  	[sflag:s12] =	ssyncadd.s32 $0xFFFFFF80  }
0xaf: {  	_ =	swait.ge [sflag:s12], $0x80  }
0xb0: {  	[sflag:s12] =	ssyncset.done $0x0  }
0xb1: {  	[sflag:s12] =	ssyncadd.s32 $0xFFFFFF80  }
0xb2: {  	_ =	swait.ge [sflag:s12], $0x80  }
0xb3: {  	[sflag:s12] =	ssyncset.done $0x0  }
0xb4: {  	[sflag:s12] =	ssyncadd.s32 $0xFFFFFF80  }
0xb5: {  	_ =	swait.ge [sflag:s12], $0x80  }
0xb6: {  	[sflag:s12] =	ssyncset.done $0x0  }
0xb7: {  	[sflag:s12] =	ssyncadd.s32 $0xFFFFFF80  }
0xb8: {  	_ =	swait.ge [sflag:s12], $0x80  }
0xb9: {  	[sflag:s12] =	ssyncset.done $0x0  }
0xba: {  	[sflag:s12] =	ssyncadd.s32 $0xFFFFFF80  }
0xbb: {  	_ =	swait.ge [sflag:s12], $0x80  }
0xbc: {  	s17 =	sadd.s32 $0x1, s17;
	[sflag:s12] =	ssyncset.done $0x0  }
0xbd: {  	p0 =	sne.s32 s17, s7;
	[sflag:s12] =	ssyncadd.s32 $0xFFFFFF80  }
.Ltmp1:
0xbe: {  	[bflag:$0x0] =	sbarrier.arrive $0xFFFF;
	(pc) =	sbr.rel @p0 .LBB2_1-.Ltmp1, $4  }
0xbf: {  	[hbm:s6@s15], [sflag:s13] =	dma.strided [spmem:s14@s16], $0x50, s12, $0x10   }
0xc0: {  	_ =	swait.ge [sflag:s9], $0x50  }
0xc1: {  	[sflag:s9] =	ssyncset.done $0x0  }
0xc2: {  	[sflag:s9] =	ssyncadd.s32 $0xFFFFFFB0  }
0xc3: {  	_ =	sfence.sel $0x180000  }
0xc4: {  	[bflag:$0x0] =	sbarrier.arrive $0xFFFF  }
0xc5: {  	p0 =	sne.s32 s2, $0x0;
	_ =	strace $0x90000047  }
0xc6: {  	s0 =	sadd.s32 @!p0 $0x100000, s0;
	[bflag:$0x2] =	sbarrier.arrive $0xFFFF  }
0xc7: {  	[sflag:s0] =	ssyncadd.tile.s32 @!p0 $0x1;
	_ =	shalt  }
.Lfunc_end2:
_tile_overlayer_lowered:
.L_overlay_start_2:
0xc8: {  	(tag) =	ssettag $0x2  }
0xc9: {  	s0 =	rddreg [dreg:$0x0];
	s2 =	stileid.u32  }
0xca: {  	s1 =	rddreg [dreg:$0x1];
	p0 =	sne.s32 s2, $0x0  }
0xcb: {  	s3 =	rddreg [dreg:$0x2];
	[bflag:$0x3] =	sbarrier.arrive $0xFFFF;
	s2 =	simm.s32 @!p0 $0x1C02  }
0xcc: {  	[timem:s3], [sflag:s2] =	dma.local @!p0 [hbm:s0], s1  }
0xcd: {  	s0 =	simm.s32 @!p0 $0x2  }
0xce: {  	_ =	swait.ge @!p0 [sflag:s0], s1  }
0xcf: {  	s1 =	ssub.s32 @!p0 $0x0, s1;
	[sflag:s0] =	ssyncset.done @!p0 $0x0  }
0xd0: {  	[sflag:s0] =	ssyncadd.s32 @!p0 s1  }
0xd1: {  	[bflag:$0x3] =	sbarrier.arrive $0xFFFF  }
0xd2: {  	_ =	shalt  }

// kernel: kernel.9.cloned.1.call-start
scs
__scs_entry_jumppad:
0x0: {  	(pc) =	sbr.rel $0x88, $3  }
0x1: {  	(tag) =	ssettag $0x0;
	lr =	simm.s32 $0x1  }
0x2: {  	[smem:$0x3F9D] =	sst lr;
	_ =	strace $0xD0000000  }
0x3: {  	_ = 	snop  }
0x4: {  	_ = 	snop  }
0x5: {  	_ = 	snop  }
0x6: {  	_ = 	snop  }
0x7: {  	_ = 	snop  }
__scs_overlays_trampoline_lowered:
0x8: {  	[smem:$0x3FAC] =	sst s0  }
0x9: {  	[smem:$0x3FAD] =	sst s1  }
0xa: {  	[smem:$0x3FAE] =	sst s2  }
0xb: {  	[smem:$0x3FAF] =	sst s3  }
0xc: {  	[smem:$0x3FB0] =	sst s4  }
0xd: {  	[smem:$0x3FB1] =	sst s5  }
0xe: {  	[smem:$0x3FB2] =	sst s6  }
0xf: {  	[smem:$0x3FB3] =	sst s7  }
0x10: {  	[smem:$0x3FB4] =	sst s8  }
0x11: {  	[smem:$0x3FB5] =	sst s9;
	s0 =	simm.s32 @!p0 $0x0  }
0x12: {  	s1 =	sld [smem:$0x3F9B];
	s0 =	simm.s32 @p0 $0x1  }
0x13: {  	[smem:$0x3FB6] =	sst s0;
	s0 =	simm.s32 @!p1 $0x0  }
0x14: {  	s2 =	sld [smem:$0x3F9A];
	s0 =	simm.s32 @p1 $0x1  }
0x15: {  	[smem:$0x3FB7] =	sst s0;
	s0 =	simm.s32 @!p2 $0x0  }
0x16: {  	s3 =	sld [smem:$0x3FDB];
	s0 =	simm.s32 @p2 $0x1  }
0x17: {  	s4 =	simm.s32 $0x1BF5;
	[smem:$0x3FB9] =	sst s0  }
0x18: {  	s0 =	sld [smem:$0x3F9C];
	_ =	swait.ge [sflag:s4], $0x0  }
0x19: {  	s7 =	sld [smem:$0x3F9D]  }
0x1a: {  	s8 =	sadd.s32 $0xFFFFE003, lr  }
0x1b: {  	s9 =	sadd.s32 $0xFFFFFEF7, lr;
	s5 =	simm.s32 $0xFFFFFFFF;
	p2 =	slt.u32 s8, $0xFFFFF086  }
0x1c: {  	p1 =	slt.u32 s9, $0xF7A;
	s5 =	simm.s32 @!p2 $0x0  }
0x1d: {  	s5 =	simm.s32 @p1 $0x1;
	p0 =	seq.s32 s7, s2  }
0x1e: {  	s7 =	smul.u32 @!p0 $0xF7A, s2;
	p2 =	seq.s32 @!p0 s5, $0x0  }
0x1f: {  	s9 =	smul.u32 $0xF7A, s1;
	s8 =	simm.s32 @!p0 $0x1BF5;
	p2 =	por !p2, p0  }
0x20: {  	[sflag:s8] =	ssyncset.s32 @!p0 $0xFFFFF086;
	s6 =	sadd.s32 @!p0 s3, s7;
	s7 =	simm.s32 @!p0 $0x108  }
0x21: {  	s3 =	sadd.s32 s3, s9;
	s6 =	sadd.s32 @!p0 $0x88, s6;
	s7 =	simm.s32 @p2 $0x1082  }
0x22: {  	[simem:s7], [sflag:s8] =	dma.local @!p0 [hbm:s6], $0xF7A  }
0x23: {  	s9 =	sor.u32 $0xD0000000, s2;
	s6 =	simm.s32 $0x108;
	_ =	swait.ge @!p0 [sflag:s8], $0x0  }
0x24: {  	s3 =	sadd.s32 $0x88, s3;
	s6 =	simm.s32 @!p1 $0x1082;
	[sflag:s4] =	ssyncset.s32 $0xFFFFF086  }
0x25: {  	[simem:s6], [sflag:s4] =	dma.local [hbm:s3], $0xF7A  }
0x26: {  	[smem:$0x3F9D] =	sst s1;
	(tag) =	ssettag s2;
	_ =	strace s9  }
0x27: {  	s1 =	sld [smem:$0x3FAD]  }
0x28: {  	s2 =	sld [smem:$0x3FAE]  }
0x29: {  	s4 =	sld [smem:$0x3FB0]  }
0x2a: {  	p0 =	seq.s32 s5, $0x0;
	s5 =	sld [smem:$0x3FB1]  }
0x2b: {  	s6 =	sld [smem:$0x3FB2]  }
0x2c: {  	s7 =	sld [smem:$0x3FB3]  }
0x2d: {  	s3 =	simm.s32 $0x108;
	s8 =	sld [smem:$0x3FB4]  }
0x2e: {  	s3 =	simm.s32 @!p0 $0x1082;
	s9 =	sld [smem:$0x3FB5]  }
0x2f: {  	lr =	sadd.s32 s0, s3;
	s0 =	sld [smem:$0x3FAC]  }
0x30: {  	s3 =	sld [smem:$0x3FAF]  }
0x31: {  	[smem:$0x3FB8] =	sst s10  }
0x32: {  	s10 =	sld [smem:$0x3FB6];
	_ =	sdelay $0x3  }
0x33: {  	p0 =	seq.s32 s10, $0x1;
	s10 =	sld [smem:$0x3FB8];
	_ =	sdelay $0x3  }
0x34: {  	[smem:$0x3FB8] =	sst s10  }
0x35: {  	s10 =	sld [smem:$0x3FB7];
	_ =	sdelay $0x3  }
0x36: {  	p1 =	seq.s32 s10, $0x1;
	s10 =	sld [smem:$0x3FB8];
	_ =	sdelay $0x3  }
0x37: {  	[smem:$0x3FB8] =	sst s10  }
0x38: {  	s10 =	sld [smem:$0x3FB9]  }
0x39: {  	_ = 	snop;
	(pc) =	sbr.ind lr, $3  }
0x3a: {  	_ = 	snop  }
0x3b: {  	_ = 	snop  }
0x3c: {  	p2 =	seq.s32 s10, $0x1;
	s10 =	sld [smem:$0x3FB8]  }
0x3d: {  	_ =	shalt  }
0x3e: {  	_ =	shalt  }
0x3f: {  	_ =	shalt  }
0x40: {  	_ =	shalt  }
0x41: {  	_ =	shalt  }
0x42: {  	_ =	shalt  }
0x43: {  	_ =	shalt  }
0x44: {  	_ =	shalt  }
0x45: {  	_ =	shalt  }
0x46: {  	_ =	shalt  }
0x47: {  	_ =	shalt  }
0x48: {  	_ =	shalt  }
0x49: {  	_ =	shalt  }
0x4a: {  	_ =	shalt  }
0x4b: {  	_ =	shalt  }
0x4c: {  	_ =	shalt  }
0x4d: {  	_ =	shalt  }
0x4e: {  	_ =	shalt  }
0x4f: {  	_ =	shalt  }
0x50: {  	_ =	shalt  }
0x51: {  	_ =	shalt  }
0x52: {  	_ =	shalt  }
0x53: {  	_ =	shalt  }
0x54: {  	_ =	shalt  }
0x55: {  	_ =	shalt  }
0x56: {  	_ =	shalt  }
0x57: {  	_ =	shalt  }
0x58: {  	_ =	shalt  }
0x59: {  	_ =	shalt  }
0x5a: {  	_ =	shalt  }
0x5b: {  	_ =	shalt  }
0x5c: {  	_ =	shalt  }
0x5d: {  	_ =	shalt  }
0x5e: {  	_ =	shalt  }
0x5f: {  	_ =	shalt  }
0x60: {  	_ =	shalt  }
0x61: {  	_ =	shalt  }
0x62: {  	_ =	shalt  }
0x63: {  	_ =	shalt  }
0x64: {  	_ =	shalt  }
0x65: {  	_ =	shalt  }
0x66: {  	_ =	shalt  }
0x67: {  	_ =	shalt  }
0x68: {  	_ =	shalt  }
0x69: {  	_ =	shalt  }
0x6a: {  	_ =	shalt  }
0x6b: {  	_ =	shalt  }
0x6c: {  	_ =	shalt  }
0x6d: {  	_ =	shalt  }
0x6e: {  	_ =	shalt  }
0x6f: {  	_ =	shalt  }
0x70: {  	_ =	shalt  }
0x71: {  	_ =	shalt  }
0x72: {  	_ =	shalt  }
0x73: {  	_ =	shalt  }
0x74: {  	_ =	shalt  }
0x75: {  	_ =	shalt  }
0x76: {  	_ =	shalt  }
0x77: {  	_ =	shalt  }
0x78: {  	_ =	shalt  }
0x79: {  	_ =	shalt  }
0x7a: {  	_ =	shalt  }
0x7b: {  	_ =	shalt  }
0x7c: {  	_ =	shalt  }
0x7d: {  	_ =	shalt  }
0x7e: {  	_ =	shalt  }
0x7f: {  	_ =	shalt  }
0x80: {  	_ =	shalt  }
0x81: {  	_ =	shalt  }
0x82: {  	_ =	shalt  }
0x83: {  	_ =	shalt  }
0x84: {  	_ =	shalt  }
0x85: {  	_ =	shalt  }
0x86: {  	_ =	shalt  }
0x87: {  	_ =	shalt  }
.Lfunc_end0:
.L_simem_size_0:
called_computation.1_lowered:
.L_overlay_start_0:
0x88: {  	s2 =	sld [smem:$0x3FD9]  }
0x89: {  	s3 =	sld [smem:$0x3FFE];
	_ =	sdelay $0x1  }
0x8a: {  	s1 =	srdreg.scid  }
0x8b: {  	s0 =	sand.u32 $0x1, s1  }
0x8c: {  	s17 =	sshll.u32 s0, $0xA;
	s2 =	sadd.s32 s3, s2  }
0x8d: {  	s2 =	sadd.s32 s2, s17  }
0x8e: {  	[smem:$0x3FC4] =	sst s2  }
0x8f: {  	_ = 	snop  }
0x90: {  	s2 =	sld [smem:$0x3FD0];
	(tm) =	ssettm $0x1  }
0x91: {  	s18 =	sld [smem:$0x3FFB];
	_ =	sdelay $0x3  }
0x92: {  	_ =	strace s18  }
0x93: {  	s3 =	sld [smem:$0x3FFC];
	_ =	sdelay $0x3  }
0x94: {  	_ =	strace s3  }
0x95: {  	s3 =	sld [smem:$0x3FFD];
	_ =	sdelay $0x3  }
0x96: {  	_ =	strace s3  }
0x97: {  	_ =	strace $0x8FFFFFFF  }
0x98: {  	s19 =	sld [smem:$0x3FDB];
	_ =	sdelay $0x1  }
0x99: {  	s4 =	simm.s32 $_scs_section_size  }
0x9a: {  	s5 =	simm.s32 $_size__tile_overlayer_lowered;
	s6 =	simm.s32 $_tile_overlayer_lowered  }
0x9b: {  	s22 =	simm.s32 $0x1BFF;
	s21 =	sshll.u32 s6, $0x1;
	s3 =	sadd.s32 s4, s19  }
0x9c: {  	s7 =	simm.s32 $0x0;
	s20 =	sshll.u32 s5, $0x1;
	s5 =	sadd.s32 s21, s3  }
0x9d: {  	[timem:s7], [sflag:s22] =	dma.local [hbm:s5], s20  }
0x9e: {  	_ =	swait.ge [sflag:s22], s20  }
0x9f: {  	s4 =	ssub.s32 $0x0, s20;
	[sflag:s22] =	ssyncset.done $0x0  }
0xa0: {  	[sflag:s22] =	ssyncadd.s32 s4;
	_ =	sdelay $0x1  }
0xa1: {  	s23 =	simm.s32 $0x1B8B  }
0xa2: {  	_ =	swait.ge [sflag:s23], $0x1  }
0xa3: {  	[sflag:s23] =	ssyncset.done $0x0  }
0xa4: {  	s25 =	simm.s32 $0x1B8E;
	s24 =	sld [smem:$0x3FFE];
	[sflag:s23] =	ssyncadd.s32 $0xFFFFFFFF  }
0xa5: {  	s26 =	simm.s32 $execute0_lowered;
	[smem:$0x3FD2] =	sst s25  }
0xa6: {  	s5 =	sshll.u32 s26, $0x1;
	_ =	strace $0x80000049;
	[dreg:$0x1] =	wrdreg $0xFFFFFFFF  }
0xa7: {  	s28 =	simm.s32 $_size_execute0_lowered;
	s3 =	sadd.s32 s3, s5;
	[dreg:$0x0] =	wrdreg $0x0  }
0xa8: {  	s5 =	sshll.u32 s28, $0x1;
	[dreg:$0x2] =	wrdreg s3  }
0xa9: {  	[dreg:$0x3] =	wrdreg s5  }
0xaa: {  	[dreg:$0x4] =	wrdreg $0xC0  }
0xab: {  	_ =	task [dreg:s7], $0x5FFFF  }
0xac: {  	[dreg:$0x1] =	wrdreg $0xFFFFFFFF  }
0xad: {  	[dreg:$0x0] =	wrdreg $0x60  }
0xae: {  	[dreg:$0x2] =	wrdreg s2  }
0xaf: {  	[dreg:$0x3] =	wrdreg s24  }
0xb0: {  	[dreg:$0x4] =	wrdreg $0x90000  }
0xb1: {  	[dreg:$0x5] =	wrdreg $0x9  }
0xb2: {  	_ =	task.clear_ibuf [dreg:s7], $0x6FFFF;
	_ =	strace $0x90000049  }
0xb3: {  	s29 =	simm.s32 $0x9;
	_ =	strace $0x8000004B  }
0xb4: {  	_ =	swait.ge [sflag:s29], $0x1  }
0xb5: {  	[sflag:s29] =	ssyncadd.s32 $0xFFFFFFFF  }
0xb6: {  	_ =	strace $0x9000004B  }
0xb7: {  	_ =	sfence  }
0xb8: {  	s30 =	sld [smem:$0x0];
	_ =	sdelay $0x2  }
0xb9: {  	s31 =	sshll.u32 s1, $0xD;
	s1 =	sshrl.u32 s1, $0x2  }
0xba: {  	s3 =	sand.u32 $0x4000, s31;
	s1 =	sadd.s32 s1, s30  }
0xbb: {  	s0 =	sor.u32 s3, s0;
	s1 =	sshll.u32 s1, $0x11  }
0xbc: {  	s0 =	sor.u32 s1, s0  }
0xbd: {  	s0 =	sadd.s32 $0x8F2B, s0  }
0xbe: {  	[sflag:s0] =	ssyncadd.remote.s32 $0x1  }
0xbf: {  	_ =	sfence.sel $0xFFFF  }
0xc0: {  	[dreg:$0x0] =	wrdreg $0xFFFFFFFF;
	(pc) =	sbr.abs _section_cstart, $3  }
0xc1: {  	[dreg:$0x1] =	wrdreg $0xFFFFFFFF  }
0xc2: {  	_ =	task.clear_ibuf [dreg:s7], $0x2FFFF;
	_ =	strace $0x9FFFFFFF  }
0xc3: {  	(tm) =	ssettm $0x7FFFFFFF  }
tec
execute0_lowered:
.L_overlay_start_1:
0x0: {  	(tag) =	ssettag $0x1  }
0x1: {  	s7 =	rddreg [dreg:$0x0]  }
0x2: {  	s0 =	srdreg.scid;
	s6 =	rddreg [dreg:$0x1]  }
0x3: {  	s2 =	rddreg [dreg:$0x2];
	s3 =	simm.s32 $0x0;
	s15 =	simm.s32 $0x5000  }
0x4: {  	s16 =	simm.s32 $0x1;
	s17 =	simm.s32 $0x7000;
	s18 =	simm.s32 $0x2  }
0x5: {  	s19 =	simm.s32 $0x2840;
	s20 =	simm.s32 $0x3;
	s21 =	simm.s32 $0x80  }
0x6: {  	s22 =	simm.s32 $0x4;
	s5 =	sand.u32 $0x1, s0;
	s0 =	stileid.u32  }
0x7: {  	s23 =	simm.s32 $0x0;
	[smem:$0x7FF] =	sst s3;
	s9 =	smul.u32 $0x13C00, s0  }
0x8: {  	s1 =	sshll.u32 s5, $0x4;
	s10 =	smul.u32 $0x13C000, s5;
	s5 =	ssub.s32 $0x2, s5  }
0x9: {  	s29 =	smul.u32 $0x4F000, s0;
	s31 =	sshll.u32 s0, $0x6;
	s4 =	sor.u32 s0, s1  }
0xa: {  	s1 =	rddreg [dreg:$0x3];
	_ =	strace $0x8000004A;
	s13 =	sshrl.u32 s5, $0x1  }
0xb: {  	s8 =	smul.u32 $0x500, s4;
	s4 =	sadd.s32 $0xB400, s6;
	s12 =	sshrl.u32 s9, $0x3  }
0xc: {  	s9 =	sadd.s32 s9, s10;
	s13 =	ssub.s32 s5, s13;
	s30 =	sshrl.u32 s29, $0x2  }
0xd: {  	s12 =	sadd.s32 s12, s6;
	s9 =	sshrl.u32 s9, $0x3;
	s14 =	sadd.s32 s30, s2  }
0xe: {  	s10 =	smax.u32 s13, $0x1;
	s13 =	simm.s32 $0x2800;
	s11 =	sadd.s32 s8, s6  }
0xf: {  	s9 =	sadd.s32 s9, s6;
	s5 =	sadd.s32 $0x32C00, s12;
	s6 =	sor.u32 $0x1C05, s31  }
0x10: {  	s7 =	sadd.s32 s7, s8;
	s12 =	simm.s32 $0x5;
	s8 =	sadd.s32 $0x1400, s11  }
0x11: {  	s9 =	sadd.s32 $0x5A400, s9;
	s11 =	sshrl.u32 s14, $0x3;
	s14 =	simm.s32 $0x40  }
.LBB2_1:
0x12: {  	[spmem:s11], [sflag:s6] =	dma.local [hbm:s5], $0x2780  }
0x13: {  	_ =	swait.ge [sflag:s12], $0x2780  }
0x14: {  	[sflag:s12] =	ssyncset.done $0x0  }
0x15: {  	[sflag:s12] =	ssyncadd.s32 $0xFFFFD880  }
0x16: {  	[tilespmem:s3], [sflag:$0x5] =	stream.linear.gather [hbm4b:s7+s3], $0x2800, $0x38;
	[tilespmem:$0x1CC00] =	vst v63  }
0x17: {  	_ =	swait.ge [sflag:s12], $0x2800  }
0x18: {  	[sflag:s12] =	ssyncset.done $0x0  }
0x19: {  	[sflag:s12] =	ssyncadd.s32 $0xFFFFD800  }
0x1a: {  	[tilespmem:s13], [sflag:$0x5] =	stream.linear.gather [hbm4b:s8+s3], $0x2800, $0x38;
	[tilespmem:$0x1CC00] =	vst v63  }
0x1b: {  	_ =	swait.ge [sflag:s12], $0x2800  }
0x1c: {  	[sflag:s12] =	ssyncset.done $0x0  }
0x1d: {  	[sflag:s12] =	ssyncadd.s32 $0xFFFFD800  }
0x1e: {  	[bflag:$0x0] =	sbarrier.arrive $0xFFFF  }
0x1f: {  	[tilespmem:s15], [sflag:$0x1] =	stream.indirect.gather [hbm4b:s4+s14], $0x80, s3, s14, $0xb8;
	[tilespmem:$0x1CC00] =	vst v63  }
0x20: {  	_ =	swait.ge [sflag:s16], $0x2000  }
0x21: {  	[sflag:s16] =	ssyncset.done $0x0  }
0x22: {  	[sflag:s16] =	ssyncadd.s32 $0xFFFFE000  }
0x23: {  	[spmem:s2] =	stream.indirect.scatter.add.f32 [tilespmem:s15], [sflag:$0x3], $0x80, s13, s14, $0xb8;
	[tilespmem:$0x1CC00] =	vst v63  }
0x24: {  	_ = 	snop  }
0x25: {  	[tilespmem:s17], [sflag:$0x2] =	stream.indirect.gather [hbm4b:s4+s14], $0x80, s14, s14, $0xb8;
	[tilespmem:$0x1CC00] =	vst v63  }
0x26: {  	_ =	swait.ge [sflag:s18], $0x2000  }
0x27: {  	[sflag:s18] =	ssyncset.done $0x0  }
0x28: {  	[sflag:s18] =	ssyncadd.s32 $0xFFFFE000  }
0x29: {  	[spmem:s2] =	stream.indirect.scatter.add.f32 [tilespmem:s17], [sflag:$0x4], $0x80, s19, s14, $0xb8;
	[tilespmem:$0x1CC00] =	vst v63  }
0x2a: {  	_ =	swait.ge [sflag:s20], $0x2000  }
0x2b: {  	[sflag:s20] =	ssyncset.done $0x0  }
0x2c: {  	s24 =	simm.s32 $0x0;
	[sflag:s20] =	ssyncadd.s32 $0xFFFFE000  }
0x2d: {  	[tilespmem:s15], [sflag:$0x1] =	stream.indirect.gather [hbm4b:s4+s14], $0x80, s21, s14, $0xb8;
	[tilespmem:$0x1CC00] =	vst v63  }
.LBB2_2:
0x2e: {  	_ =	swait.ge [sflag:s16], $0x2000  }
0x2f: {  	s25 =	sshra.s32 s24, $0x2;
	[sflag:s16] =	ssyncset.done $0x0  }
0x30: {  	s26 =	sadd.s32 $0x2880, s25;
	[sflag:s16] =	ssyncadd.s32 $0xFFFFE000  }
0x31: {  	[spmem:s2] =	stream.indirect.scatter.add.f32 [tilespmem:s15], [sflag:$0x3], $0x80, s26, s14, $0xb8;
	[tilespmem:$0x1CC00] =	vst v63  }
0x32: {  	_ =	swait.ge [sflag:s22], $0x2000  }
0x33: {  	[sflag:s22] =	ssyncset.done $0x0  }
0x34: {  	s31 =	sadd.s32 $0xC0, s25;
	[sflag:s22] =	ssyncadd.s32 $0xFFFFE000  }
0x35: {  	[tilespmem:s17], [sflag:$0x2] =	stream.indirect.gather [hbm4b:s4+s14], $0x80, s31, s14, $0xb8;
	[tilespmem:$0x1CC00] =	vst v63  }
0x36: {  	_ =	swait.ge [sflag:s18], $0x2000  }
0x37: {  	[sflag:s18] =	ssyncset.done $0x0  }
0x38: {  	p0 =	seq.s32 s24, $0x9C00;
	s25 =	sadd.s32 $0x28C0, s25;
	[sflag:s18] =	ssyncadd.s32 $0xFFFFE000  }
0x39: {  	[spmem:s2] =	stream.indirect.scatter.add.f32 [tilespmem:s17], [sflag:$0x4], $0x80, s25, s14, $0xb8;
	[tilespmem:$0x1CC00] =	vst v63  }
0x3a: {  	s28 =	simm.s32 @!p0 $0x5000;
	s26 =	simm.s32 @!p0 $0x40;
	_ =	swait.ge [sflag:s20], $0x2000  }
0x3b: {  	s25 =	sshra.s32 @!p0 s24, $0x2;
	s24 =	sadd.s32 @!p0 $0x200, s24;
	[sflag:s20] =	ssyncset.done $0x0  }
0x3c: {  	s25 =	sadd.s32 @!p0 $0x100, s25;
	p1 =	sne.s32 @!p0 s24, $0x9E00;
	[sflag:s20] =	ssyncadd.s32 $0xFFFFE000  }
0x3d: {  	[tilespmem:s28], [sflag:$0x1] =	stream.indirect.gather @!p0 [hbm4b:s4+s26], $0x80, s25, s26, $0xb8;
	[tilespmem:$0x1CC00] =	vst v63  }
0x3e: {  	p0 =	por p0, !p1  }
.Ltmp0:
0x3f: {  	_ = 	snop;
	(pc) =	sbr.rel @!p0 .LBB2_2-.Ltmp0, $1  }
0x40: {  	_ =	sdelay $0x3  }
0x41: {  	_ =	swait.ge [sflag:s22], $0x2000  }
0x42: {  	s23 =	sadd.s32 $0x1, s23;
	[sflag:s22] =	ssyncset.done $0x0  }
0x43: {  	p0 =	sne.s32 s23, s10;
	[sflag:s22] =	ssyncadd.s32 $0xFFFFE000  }
.Ltmp1:
0x44: {  	[bflag:$0x0] =	sbarrier.arrive $0xFFFF;
	(pc) =	sbr.rel @p0 .LBB2_1-.Ltmp1, $4  }
0x45: {  	[hbm:s9], [sflag:s6] =	dma.local [spmem:s11], $0x2780  }
0x46: {  	_ =	swait.ge [sflag:s12], $0x2780  }
0x47: {  	[sflag:s12] =	ssyncset.done $0x0  }
0x48: {  	[sflag:s12] =	ssyncadd.s32 $0xFFFFD880  }
0x49: {  	_ =	sfence.sel $0x180000  }
0x4a: {  	[bflag:$0x0] =	sbarrier.arrive $0xFFFF  }
0x4b: {  	p0 =	sne.s32 s0, $0x0;
	_ =	strace $0x9000004A  }
0x4c: {  	s0 =	sadd.s32 @!p0 $0x100000, s1;
	[bflag:$0x2] =	sbarrier.arrive $0xFFFF  }
0x4d: {  	[sflag:s0] =	ssyncadd.tile.s32 @!p0 $0x1;
	_ =	shalt  }
.Lfunc_end2:
_tile_overlayer_lowered:
.L_overlay_start_2:
0x4e: {  	(tag) =	ssettag $0x2  }
0x4f: {  	s0 =	rddreg [dreg:$0x0];
	s2 =	stileid.u32  }
0x50: {  	s1 =	rddreg [dreg:$0x1];
	p0 =	sne.s32 s2, $0x0  }
0x51: {  	s3 =	rddreg [dreg:$0x2];
	[bflag:$0x3] =	sbarrier.arrive $0xFFFF;
	s2 =	simm.s32 @!p0 $0x1C05  }
0x52: {  	[timem:s3], [sflag:s2] =	dma.local @!p0 [hbm:s0], s1  }
0x53: {  	s0 =	simm.s32 @!p0 $0x5  }
0x54: {  	_ =	swait.ge @!p0 [sflag:s0], s1  }
0x55: {  	s1 =	ssub.s32 @!p0 $0x0, s1;
	[sflag:s0] =	ssyncset.done @!p0 $0x0  }
0x56: {  	[sflag:s0] =	ssyncadd.s32 @!p0 s1  }
0x57: {  	[bflag:$0x3] =	sbarrier.arrive $0xFFFF  }
0x58: {  	_ =	shalt  }

</sc_bundles>
